<compile_context>
chip_gen: v7x
topology: tpu7x:2x2x1
jax: 0.10.2.dev20260603
libtpu: 0.0.44.dev20260713+nightly
codegen_flags: <defaults>
</compile_context>

<pallas_src>
import functools

import jax
import jax.numpy as jnp
from jax import lax
from jax.experimental import pallas as pl
from jax.experimental.pallas import tpu as pltpu
from jax.experimental.pallas import tpu_sc as plsc

V = 100000
C = 128
D = 128
T = 50
L = 200
B = 1024

NC = 2
NS = 16
LANES = 16
NW = NC * NS
B_PER_W = B // NW
HALF_L = L // 2
CV = C // LANES


def _sc_pool(xr, table):
  mesh = plsc.VectorSubcoreMesh(core_axis_name="c", subcore_axis_name="s")

  @functools.partial(
      pl.kernel,
      mesh=mesh,
      out_type=jax.ShapeDtypeStruct((B, C), jnp.float32),
      scratch_types=[
          pltpu.VMEM((2 * B_PER_W, HALF_L), jnp.int32),
          pltpu.VMEM((4, L, C), jnp.float32),
          pltpu.VMEM((B_PER_W, C), jnp.float32),
          pltpu.SemaphoreType.DMA,
          pltpu.SemaphoreType.DMA,
          pltpu.SemaphoreType.DMA,
          pltpu.SemaphoreType.DMA,
      ],
  )
  def k(xr_hbm, table_hbm, out_hbm, idx_v, rows_v, out_v, s0, s1, s2, s3):
    wid = lax.axis_index("s") * NC + lax.axis_index("c")
    base = wid * B_PER_W
    pltpu.sync_copy(xr_hbm.at[pl.ds(2 * base, 2 * B_PER_W)], idx_v)
    sems = (s0, s1, s2, s3)

    def fire(j, b):
      pltpu.async_copy(
          table_hbm.at[idx_v.at[2 * j]], rows_v.at[b, pl.ds(0, HALF_L)],
          sems[b])
      pltpu.async_copy(
          table_hbm.at[idx_v.at[2 * j + 1]],
          rows_v.at[b, pl.ds(HALF_L, HALF_L)], sems[b])

    def drain(b):
      pltpu.make_async_copy(
          table_hbm.at[pl.ds(0, L)], rows_v.at[b], sems[b]).wait()

    fire(0, 0)
    fire(1, 1)
    fire(2, 2)
    zero = jnp.zeros((LANES,), jnp.float32)

    def body(i, _):
      for b in range(4):
        j = 4 * i + b
        nxt = j + 3

        @pl.when(nxt < B_PER_W)
        def _():
          fire(nxt, (b + 3) % 4)

        drain(b)

        def acc_body(l, carry):
          return tuple(
              carry[c] + rows_v[b, l, pl.ds(c * LANES, LANES)]
              for c in range(CV))

        acc = lax.fori_loop(0, L, acc_body, (zero,) * CV, unroll=2)
        for c in range(CV):
          out_v[j, pl.ds(c * LANES, LANES)] = acc[c]
      return 0

    lax.fori_loop(0, B_PER_W // 4, body, 0)
    pltpu.sync_copy(out_v, out_hbm.at[pl.ds(base, B_PER_W)])

  return k(xr, table)


def _ffn_body(feat_ref, w1_ref, b1_ref, wt_ref, bt_ref, logit_ref, topic_ref):
  feat = feat_ref[...]
  logit_ref[...] = lax.dot_general(
      feat, w1_ref[...], (((1,), (1,)), ((), ())),
      preferred_element_type=jnp.float32) + b1_ref[...]
  tl = lax.dot_general(
      feat, wt_ref[...], (((1,), (1,)), ((), ())),
      preferred_element_type=jnp.float32) + bt_ref[...]
  m = jnp.max(tl, axis=1, keepdims=True)
  e = jnp.exp(tl - m)
  s = jnp.sum(e, axis=1, keepdims=True)
  topic_ref[...] = tl - m - jnp.log(s)


def _tc_ffn(feat, fc1_W, fc1_b, topic_W, topic_b):
  blk = 1024
  grid = B // blk
  return pl.pallas_call(
      _ffn_body,
      grid=(grid,),
      in_specs=[
          pl.BlockSpec((blk, C), lambda i: (i, 0)),
          pl.BlockSpec((C, D), lambda i: (0, 0)),
          pl.BlockSpec((C,), lambda i: (0,)),
          pl.BlockSpec((T, D), lambda i: (0, 0)),
          pl.BlockSpec((T,), lambda i: (0,)),
      ],
      out_specs=[
          pl.BlockSpec((blk, C), lambda i: (i, 0)),
          pl.BlockSpec((blk, T), lambda i: (i, 0)),
      ],
      out_shape=[
          jax.ShapeDtypeStruct((B, C), jnp.float32),
          jax.ShapeDtypeStruct((B, T), jnp.float32),
      ],
  )(feat, fc1_W, fc1_b, topic_W, topic_b)


def kernel(x, embed_table, fc1_W, fc1_b, topic_W, topic_b):
  xr = jnp.transpose(x, (1, 0)).reshape(2 * B, HALF_L)
  feat = _sc_pool(xr, embed_table)
  return _tc_ffn(feat, fc1_W, fc1_b, topic_W, topic_b)

# --- scband reference (transcript-rebuilt; emitter-appended) ---
"""Pipeline reference for scband-ffn-bow-text-27788438405676 (READ-ONLY COPY).

The authoritative reference and input builder live on the scoring server;
editing this copy changes nothing except your own understanding.
"""

import jax, jax.numpy as jnp
import numpy as np

V = 100000
C = 128  # nlabels == embed_dim (required: fc1 is Linear(D, C) applied to summed embeddings of width C)
D = 128
T = 50   # num_topics
L = 200  # seq len
B = 1024 # batch


@jax.custom_vjp
def grad_reverse(x):
    return x

def _gr_fwd(x):
    return x, None

def _gr_bwd(res, g):
    return (jnp.negative(g) * 1.0,)

grad_reverse.defvjp(_gr_fwd, _gr_bwd)


def setup_inputs(seed: int = 0) -> dict:
    key = jax.random.key(seed)
    k0, k1, k2, k3, k4, k5 = jax.random.split(key, 6)
    x = jax.random.randint(k0, (L, B), 0, V, dtype=jnp.int32)
    embed_table = jax.random.normal(k1, (V, C), dtype=jnp.float32) * 0.02
    fc1_W = jax.random.normal(k2, (C, D), dtype=jnp.float32) * (1.0 / np.sqrt(D))
    fc1_b = jnp.zeros((C,), dtype=jnp.float32)
    topic_W = jax.random.normal(k3, (T, D), dtype=jnp.float32) * (1.0 / np.sqrt(D))
    topic_b = jnp.zeros((T,), dtype=jnp.float32)
    return {"x": x, "embed_table": embed_table, "fc1_W": fc1_W, "fc1_b": fc1_b,
            "topic_W": topic_W, "topic_b": topic_b}


def reference(x, embed_table, fc1_W, fc1_b, topic_W, topic_b):
    # x: [L, B] -> permute(1, 0) -> [B, L]
    xp = jnp.transpose(x, (1, 0))
    # embedding lookup: [B, L, C]
    emb = jnp.take(embed_table, xp, axis=0)
    # bag-of-words sum over sequence dim: [B, C]
    feat = jnp.sum(emb, axis=1)
    # fc1: Linear(D, C) applied to feat (requires D == C)
    logit = feat @ fc1_W.T + fc1_b
    # gradreverse=True path (identity in forward)
    rev = grad_reverse(feat)
    topic_logits = rev @ topic_W.T + topic_b
    topic_logprobs = jax.nn.log_softmax(topic_logits, axis=-1)
    return (logit, topic_logprobs)

if __name__ == "__main__":
    import jax
    _d = setup_inputs()
    print(jax.jit(kernel)(*tuple(_d.values())))

</pallas_src>

<mosaic_0001>
#map = affine_map<(d0, d1) -> (0, 0)>
module attributes {stable_mosaic.version = 14 : i64} {
  func.func @k(%arg0: i32, %arg1: i32, %arg2: memref<2048x100xi32, #tpu.memory_space<hbm>>, %arg3: memref<100000x128xf32, #tpu.memory_space<hbm>>, %arg4: memref<1024x128xf32, #tpu.memory_space<hbm>>, %arg5: memref<64x100xi32, #tpu.memory_space<vmem>>, %arg6: memref<4x200x128xf32, #tpu.memory_space<vmem>>, %arg7: memref<32x128xf32, #tpu.memory_space<vmem>>, %arg8: memref<!tpu.dma_semaphore, #tpu.memory_space<semaphore_mem>>, %arg9: memref<!tpu.dma_semaphore, #tpu.memory_space<semaphore_mem>>, %arg10: memref<!tpu.dma_semaphore, #tpu.memory_space<semaphore_mem>>, %arg11: memref<!tpu.dma_semaphore, #tpu.memory_space<semaphore_mem>>) attributes {dimension_semantics = [#tpu.dimension_semantics<core_parallel>, #tpu.dimension_semantics<subcore_parallel>], iteration_bounds = array<i64: 2, 16>, scalar_prefetch = 0 : i64, scratch_operands = 7 : i64, tpu.core_type = #tpu.core_type<sc_vector_subcore>, window_params = [{transform_indices = #map}, {transform_indices = #map}, {transform_indices = #map}]} {
    %mul3A = arith.constant 2 : i32
    %mul3A_0 = arith.muli %arg1, %mul3A : i32
    %add3A = arith.addi %mul3A_0, %arg0 : i32
    %mul3A_1 = arith.constant 32 : i32
    %mul3A_2 = arith.muli %add3A, %mul3A_1 : i32
    %mul3A_3 = arith.constant 2 : i32
    %mul3A_4 = arith.muli %mul3A_3, %mul3A_2 : i32
    "tpu.region"() ({
      %run_scoped3A = tpu.sem_alloc : memref<!tpu.dma_semaphore, #tpu.memory_space<semaphore_mem>>
      %dma_start3A_83 = arith.constant 0 : i32
      %dma_start3A_84 = tpu.memref_slice %arg2[%mul3A_4, %dma_start3A_83] : memref<2048x100xi32, #tpu.memory_space<hbm>> -> memref<64x100xi32, #tpu.memory_space<hbm>>
      %dma_start3A_85 = arith.constant 0 : i32
      %dma_start3A_86 = tpu.memref_slice %arg2[%mul3A_4, %dma_start3A_85] : memref<2048x100xi32, #tpu.memory_space<hbm>> -> memref<64x100xi32, #tpu.memory_space<hbm>>
      tpu.enqueue_dma source(%dma_start3A_86 : memref<64x100xi32, #tpu.memory_space<hbm>>) target(%arg5 : memref<64x100xi32, #tpu.memory_space<vmem>>) target_semaphore(%run_scoped3A : memref<!tpu.dma_semaphore, #tpu.memory_space<semaphore_mem>>)
      %dma_wait3A = arith.constant 0 : i32
      %dma_wait3A_87 = tpu.memref_slice %arg2[%mul3A_4, %dma_wait3A] : memref<2048x100xi32, #tpu.memory_space<hbm>> -> memref<64x100xi32, #tpu.memory_space<hbm>>
      %dma_wait3A_88 = arith.constant 0 : i32
      %dma_wait3A_89 = tpu.memref_slice %arg2[%mul3A_4, %dma_wait3A_88] : memref<2048x100xi32, #tpu.memory_space<hbm>> -> memref<64x100xi32, #tpu.memory_space<hbm>>
      tpu.wait_dma2 semaphore(%run_scoped3A : memref<!tpu.dma_semaphore, #tpu.memory_space<semaphore_mem>>) src(%dma_wait3A_89 : memref<64x100xi32, #tpu.memory_space<hbm>>) dst(%arg5 : memref<64x100xi32, #tpu.memory_space<vmem>>)
      tpu.yield
    }) : () -> ()
    %dma_start3A = arith.constant 0 : i32
    %dma_start3A_5 = arith.constant 0 : i32
    %dma_start3A_6 = arith.constant 0 : i32
    %dma_start3A_7 = arith.constant 0 : i32
    %dma_start3A_8 = tpu.memref_slice %arg6[%dma_start3A_5, %dma_start3A_6, %dma_start3A_7] : memref<4x200x128xf32, #tpu.memory_space<vmem>> -> memref<1x100x128xf32, #tpu.memory_space<vmem>>
    %dma_start3A_9 = tpu.memref_squeeze %dma_start3A_8 : memref<1x100x128xf32, #tpu.memory_space<vmem>> -> memref<100x128xf32, #tpu.memory_space<vmem>>
    %dma_start3A_10 = arith.constant 0 : i32
    %dma_start3A_11 = tpu.memref_slice %arg5[%dma_start3A, %dma_start3A_10] : memref<64x100xi32, #tpu.memory_space<vmem>> -> memref<1x100xi32, #tpu.memory_space<vmem>>
    %dma_start3A_12 = tpu.memref_squeeze %dma_start3A_11 : memref<1x100xi32, #tpu.memory_space<vmem>> -> memref<100xi32, #tpu.memory_space<vmem>>
    %dma_start3A_13 = arith.constant 0 : i32
    %dma_start3A_14 = arith.constant 0 : i32
    %dma_start3A_15 = tpu.memref_slice %arg3[%dma_start3A_13, %dma_start3A_14] : memref<100000x128xf32, #tpu.memory_space<hbm>> -> memref<100000x128xf32, #tpu.memory_space<hbm>>
    tpu.enqueue_indirect_dma source(%dma_start3A_15 : memref<100000x128xf32, #tpu.memory_space<hbm>>) target(%dma_start3A_9 : memref<100x128xf32, #tpu.memory_space<vmem>>) offsets(%dma_start3A_12 : memref<100xi32, #tpu.memory_space<vmem>>) semaphore(%arg8 : memref<!tpu.dma_semaphore, #tpu.memory_space<semaphore_mem>>)
    %dma_start3A_16 = arith.constant 1 : i32
    %dma_start3A_17 = arith.constant 0 : i32
    %dma_start3A_18 = arith.constant 100 : i32
    %dma_start3A_19 = arith.constant 0 : i32
    %dma_start3A_20 = tpu.memref_slice %arg6[%dma_start3A_17, %dma_start3A_18, %dma_start3A_19] : memref<4x200x128xf32, #tpu.memory_space<vmem>> -> memref<1x100x128xf32, #tpu.memory_space<vmem>>
    %dma_start3A_21 = tpu.memref_squeeze %dma_start3A_20 : memref<1x100x128xf32, #tpu.memory_space<vmem>> -> memref<100x128xf32, #tpu.memory_space<vmem>>
    %dma_start3A_22 = arith.constant 0 : i32
    %dma_start3A_23 = tpu.memref_slice %arg5[%dma_start3A_16, %dma_start3A_22] : memref<64x100xi32, #tpu.memory_space<vmem>> -> memref<1x100xi32, #tpu.memory_space<vmem>>
    %dma_start3A_24 = tpu.memref_squeeze %dma_start3A_23 : memref<1x100xi32, #tpu.memory_space<vmem>> -> memref<100xi32, #tpu.memory_space<vmem>>
    %dma_start3A_25 = arith.constant 0 : i32
    %dma_start3A_26 = arith.constant 0 : i32
    %dma_start3A_27 = tpu.memref_slice %arg3[%dma_start3A_25, %dma_start3A_26] : memref<100000x128xf32, #tpu.memory_space<hbm>> -> memref<100000x128xf32, #tpu.memory_space<hbm>>
    tpu.enqueue_indirect_dma source(%dma_start3A_27 : memref<100000x128xf32, #tpu.memory_space<hbm>>) target(%dma_start3A_21 : memref<100x128xf32, #tpu.memory_space<vmem>>) offsets(%dma_start3A_24 : memref<100xi32, #tpu.memory_space<vmem>>) semaphore(%arg8 : memref<!tpu.dma_semaphore, #tpu.memory_space<semaphore_mem>>)
    %dma_start3A_28 = arith.constant 2 : i32
    %dma_start3A_29 = arith.constant 1 : i32
    %dma_start3A_30 = arith.constant 0 : i32
    %dma_start3A_31 = arith.constant 0 : i32
    %dma_start3A_32 = tpu.memref_slice %arg6[%dma_start3A_29, %dma_start3A_30, %dma_start3A_31] : memref<4x200x128xf32, #tpu.memory_space<vmem>> -> memref<1x100x128xf32, #tpu.memory_space<vmem>>
    %dma_start3A_33 = tpu.memref_squeeze %dma_start3A_32 : memref<1x100x128xf32, #tpu.memory_space<vmem>> -> memref<100x128xf32, #tpu.memory_space<vmem>>
    %dma_start3A_34 = arith.constant 0 : i32
    %dma_start3A_35 = tpu.memref_slice %arg5[%dma_start3A_28, %dma_start3A_34] : memref<64x100xi32, #tpu.memory_space<vmem>> -> memref<1x100xi32, #tpu.memory_space<vmem>>
    %dma_start3A_36 = tpu.memref_squeeze %dma_start3A_35 : memref<1x100xi32, #tpu.memory_space<vmem>> -> memref<100xi32, #tpu.memory_space<vmem>>
    %dma_start3A_37 = arith.constant 0 : i32
    %dma_start3A_38 = arith.constant 0 : i32
    %dma_start3A_39 = tpu.memref_slice %arg3[%dma_start3A_37, %dma_start3A_38] : memref<100000x128xf32, #tpu.memory_space<hbm>> -> memref<100000x128xf32, #tpu.memory_space<hbm>>
    tpu.enqueue_indirect_dma source(%dma_start3A_39 : memref<100000x128xf32, #tpu.memory_space<hbm>>) target(%dma_start3A_33 : memref<100x128xf32, #tpu.memory_space<vmem>>) offsets(%dma_start3A_36 : memref<100xi32, #tpu.memory_space<vmem>>) semaphore(%arg9 : memref<!tpu.dma_semaphore, #tpu.memory_space<semaphore_mem>>)
    %dma_start3A_40 = arith.constant 3 : i32
    %dma_start3A_41 = arith.constant 1 : i32
    %dma_start3A_42 = arith.constant 100 : i32
    %dma_start3A_43 = arith.constant 0 : i32
    %dma_start3A_44 = tpu.memref_slice %arg6[%dma_start3A_41, %dma_start3A_42, %dma_start3A_43] : memref<4x200x128xf32, #tpu.memory_space<vmem>> -> memref<1x100x128xf32, #tpu.memory_space<vmem>>
    %dma_start3A_45 = tpu.memref_squeeze %dma_start3A_44 : memref<1x100x128xf32, #tpu.memory_space<vmem>> -> memref<100x128xf32, #tpu.memory_space<vmem>>
    %dma_start3A_46 = arith.constant 0 : i32
    %dma_start3A_47 = tpu.memref_slice %arg5[%dma_start3A_40, %dma_start3A_46] : memref<64x100xi32, #tpu.memory_space<vmem>> -> memref<1x100xi32, #tpu.memory_space<vmem>>
    %dma_start3A_48 = tpu.memref_squeeze %dma_start3A_47 : memref<1x100xi32, #tpu.memory_space<vmem>> -> memref<100xi32, #tpu.memory_space<vmem>>
    %dma_start3A_49 = arith.constant 0 : i32
    %dma_start3A_50 = arith.constant 0 : i32
    %dma_start3A_51 = tpu.memref_slice %arg3[%dma_start3A_49, %dma_start3A_50] : memref<100000x128xf32, #tpu.memory_space<hbm>> -> memref<100000x128xf32, #tpu.memory_space<hbm>>
    tpu.enqueue_indirect_dma source(%dma_start3A_51 : memref<100000x128xf32, #tpu.memory_space<hbm>>) target(%dma_start3A_45 : memref<100x128xf32, #tpu.memory_space<vmem>>) offsets(%dma_start3A_48 : memref<100xi32, #tpu.memory_space<vmem>>) semaphore(%arg9 : memref<!tpu.dma_semaphore, #tpu.memory_space<semaphore_mem>>)
    %dma_start3A_52 = arith.constant 4 : i32
    %dma_start3A_53 = arith.constant 2 : i32
    %dma_start3A_54 = arith.constant 0 : i32
    %dma_start3A_55 = arith.constant 0 : i32
    %dma_start3A_56 = tpu.memref_slice %arg6[%dma_start3A_53, %dma_start3A_54, %dma_start3A_55] : memref<4x200x128xf32, #tpu.memory_space<vmem>> -> memref<1x100x128xf32, #tpu.memory_space<vmem>>
    %dma_start3A_57 = tpu.memref_squeeze %dma_start3A_56 : memref<1x100x128xf32, #tpu.memory_space<vmem>> -> memref<100x128xf32, #tpu.memory_space<vmem>>
    %dma_start3A_58 = arith.constant 0 : i32
    %dma_start3A_59 = tpu.memref_slice %arg5[%dma_start3A_52, %dma_start3A_58] : memref<64x100xi32, #tpu.memory_space<vmem>> -> memref<1x100xi32, #tpu.memory_space<vmem>>
    %dma_start3A_60 = tpu.memref_squeeze %dma_start3A_59 : memref<1x100xi32, #tpu.memory_space<vmem>> -> memref<100xi32, #tpu.memory_space<vmem>>
    %dma_start3A_61 = arith.constant 0 : i32
    %dma_start3A_62 = arith.constant 0 : i32
    %dma_start3A_63 = tpu.memref_slice %arg3[%dma_start3A_61, %dma_start3A_62] : memref<100000x128xf32, #tpu.memory_space<hbm>> -> memref<100000x128xf32, #tpu.memory_space<hbm>>
    tpu.enqueue_indirect_dma source(%dma_start3A_63 : memref<100000x128xf32, #tpu.memory_space<hbm>>) target(%dma_start3A_57 : memref<100x128xf32, #tpu.memory_space<vmem>>) offsets(%dma_start3A_60 : memref<100xi32, #tpu.memory_space<vmem>>) semaphore(%arg10 : memref<!tpu.dma_semaphore, #tpu.memory_space<semaphore_mem>>)
    %dma_start3A_64 = arith.constant 5 : i32
    %dma_start3A_65 = arith.constant 2 : i32
    %dma_start3A_66 = arith.constant 100 : i32
    %dma_start3A_67 = arith.constant 0 : i32
    %dma_start3A_68 = tpu.memref_slice %arg6[%dma_start3A_65, %dma_start3A_66, %dma_start3A_67] : memref<4x200x128xf32, #tpu.memory_space<vmem>> -> memref<1x100x128xf32, #tpu.memory_space<vmem>>
    %dma_start3A_69 = tpu.memref_squeeze %dma_start3A_68 : memref<1x100x128xf32, #tpu.memory_space<vmem>> -> memref<100x128xf32, #tpu.memory_space<vmem>>
    %dma_start3A_70 = arith.constant 0 : i32
    %dma_start3A_71 = tpu.memref_slice %arg5[%dma_start3A_64, %dma_start3A_70] : memref<64x100xi32, #tpu.memory_space<vmem>> -> memref<1x100xi32, #tpu.memory_space<vmem>>
    %dma_start3A_72 = tpu.memref_squeeze %dma_start3A_71 : memref<1x100xi32, #tpu.memory_space<vmem>> -> memref<100xi32, #tpu.memory_space<vmem>>
    %dma_start3A_73 = arith.constant 0 : i32
    %dma_start3A_74 = arith.constant 0 : i32
    %dma_start3A_75 = tpu.memref_slice %arg3[%dma_start3A_73, %dma_start3A_74] : memref<100000x128xf32, #tpu.memory_space<hbm>> -> memref<100000x128xf32, #tpu.memory_space<hbm>>
    tpu.enqueue_indirect_dma source(%dma_start3A_75 : memref<100000x128xf32, #tpu.memory_space<hbm>>) target(%dma_start3A_69 : memref<100x128xf32, #tpu.memory_space<vmem>>) offsets(%dma_start3A_72 : memref<100xi32, #tpu.memory_space<vmem>>) semaphore(%arg10 : memref<!tpu.dma_semaphore, #tpu.memory_space<semaphore_mem>>)
    %broadcast_in_dim3A = arith.constant 0.000000e+00 : f32
    %broadcast_in_dim3A_76 = vector.broadcast %broadcast_in_dim3A : f32 to vector<16xf32>
    %scan3A = arith.constant 0 : i32
    %scan3A_77 = arith.constant 0 : i32
    %scan3A_78 = arith.constant 8 : i32
    %scan3A_79 = arith.addi %scan3A_77, %scan3A_78 : i32
    %scan3A_80 = arith.constant 1 : i32
    %scan3A_81 = scf.for %scan3A_83 = %scan3A_77 to %scan3A_79 step %scan3A_80 iter_args(%scan3A_84 = %scan3A) -> (i32)  : i32 {
      %mul3A_85 = arith.constant 4 : i32
      %mul3A_86 = arith.muli %mul3A_85, %scan3A_83 : i32
      %add3A_87 = arith.constant 0 : i32
      %add3A_88 = arith.addi %mul3A_86, %add3A_87 : i32
      %add3A_89 = arith.constant 3 : i32
      %add3A_90 = arith.addi %add3A_88, %add3A_89 : i32
      %lt3A = arith.constant 32 : i32
      %lt3A_91 = arith.cmpi slt, %add3A_90, %lt3A : i32
      %convert_element_type3A = arith.extui %lt3A_91 : i1 to i32
      %cond3A = arith.constant 0 : i32
      %cond3A_92 = arith.cmpi ne, %convert_element_type3A, %cond3A : i32
      scf.if %cond3A_92 {
        %mul3A_369 = arith.constant 2 : i32
        %mul3A_370 = arith.muli %mul3A_369, %add3A_90 : i32
        %dma_start3A_371 = arith.constant 3 : i32
        %dma_start3A_372 = arith.constant 0 : i32
        %dma_start3A_373 = arith.constant 0 : i32
        %dma_start3A_374 = tpu.memref_slice %arg6[%dma_start3A_371, %dma_start3A_372, %dma_start3A_373] : memref<4x200x128xf32, #tpu.memory_space<vmem>> -> memref<1x100x128xf32, #tpu.memory_space<vmem>>
        %dma_start3A_375 = tpu.memref_squeeze %dma_start3A_374 : memref<1x100x128xf32, #tpu.memory_space<vmem>> -> memref<100x128xf32, #tpu.memory_space<vmem>>
        %dma_start3A_376 = arith.constant 0 : i32
        %dma_start3A_377 = tpu.memref_slice %arg5[%mul3A_370, %dma_start3A_376] : memref<64x100xi32, #tpu.memory_space<vmem>> -> memref<1x100xi32, #tpu.memory_space<vmem>>
        %dma_start3A_378 = tpu.memref_squeeze %dma_start3A_377 : memref<1x100xi32, #tpu.memory_space<vmem>> -> memref<100xi32, #tpu.memory_space<vmem>>
        %dma_start3A_379 = arith.constant 0 : i32
        %dma_start3A_380 = arith.constant 0 : i32
        %dma_start3A_381 = tpu.memref_slice %arg3[%dma_start3A_379, %dma_start3A_380] : memref<100000x128xf32, #tpu.memory_space<hbm>> -> memref<100000x128xf32, #tpu.memory_space<hbm>>
        tpu.enqueue_indirect_dma source(%dma_start3A_381 : memref<100000x128xf32, #tpu.memory_space<hbm>>) target(%dma_start3A_375 : memref<100x128xf32, #tpu.memory_space<vmem>>) offsets(%dma_start3A_378 : memref<100xi32, #tpu.memory_space<vmem>>) semaphore(%arg11 : memref<!tpu.dma_semaphore, #tpu.memory_space<semaphore_mem>>)
        %mul3A_382 = arith.constant 2 : i32
        %mul3A_383 = arith.muli %mul3A_382, %add3A_90 : i32
        %add3A_384 = arith.constant 1 : i32
        %add3A_385 = arith.addi %mul3A_383, %add3A_384 : i32
        %dma_start3A_386 = arith.constant 3 : i32
        %dma_start3A_387 = arith.constant 100 : i32
        %dma_start3A_388 = arith.constant 0 : i32
        %dma_start3A_389 = tpu.memref_slice %arg6[%dma_start3A_386, %dma_start3A_387, %dma_start3A_388] : memref<4x200x128xf32, #tpu.memory_space<vmem>> -> memref<1x100x128xf32, #tpu.memory_space<vmem>>
        %dma_start3A_390 = tpu.memref_squeeze %dma_start3A_389 : memref<1x100x128xf32, #tpu.memory_space<vmem>> -> memref<100x128xf32, #tpu.memory_space<vmem>>
        %dma_start3A_391 = arith.constant 0 : i32
        %dma_start3A_392 = tpu.memref_slice %arg5[%add3A_385, %dma_start3A_391] : memref<64x100xi32, #tpu.memory_space<vmem>> -> memref<1x100xi32, #tpu.memory_space<vmem>>
        %dma_start3A_393 = tpu.memref_squeeze %dma_start3A_392 : memref<1x100xi32, #tpu.memory_space<vmem>> -> memref<100xi32, #tpu.memory_space<vmem>>
        %dma_start3A_394 = arith.constant 0 : i32
        %dma_start3A_395 = arith.constant 0 : i32
        %dma_start3A_396 = tpu.memref_slice %arg3[%dma_start3A_394, %dma_start3A_395] : memref<100000x128xf32, #tpu.memory_space<hbm>> -> memref<100000x128xf32, #tpu.memory_space<hbm>>
        tpu.enqueue_indirect_dma source(%dma_start3A_396 : memref<100000x128xf32, #tpu.memory_space<hbm>>) target(%dma_start3A_390 : memref<100x128xf32, #tpu.memory_space<vmem>>) offsets(%dma_start3A_393 : memref<100xi32, #tpu.memory_space<vmem>>) semaphore(%arg11 : memref<!tpu.dma_semaphore, #tpu.memory_space<semaphore_mem>>)
      } else {
      }
      %dma_wait3A = arith.constant 0 : i32
      %dma_wait3A_93 = arith.constant 0 : i32
      %dma_wait3A_94 = arith.constant 0 : i32
      %dma_wait3A_95 = tpu.memref_slice %arg6[%dma_wait3A, %dma_wait3A_93, %dma_wait3A_94] : memref<4x200x128xf32, #tpu.memory_space<vmem>> -> memref<1x200x128xf32, #tpu.memory_space<vmem>>
      %dma_wait3A_96 = tpu.memref_squeeze %dma_wait3A_95 : memref<1x200x128xf32, #tpu.memory_space<vmem>> -> memref<200x128xf32, #tpu.memory_space<vmem>>
      %dma_wait3A_97 = arith.constant 0 : i32
      %dma_wait3A_98 = arith.constant 0 : i32
      %dma_wait3A_99 = tpu.memref_slice %arg3[%dma_wait3A_97, %dma_wait3A_98] : memref<100000x128xf32, #tpu.memory_space<hbm>> -> memref<200x128xf32, #tpu.memory_space<hbm>>
      %dma_wait3A_100 = arith.constant 0 : i32
      %dma_wait3A_101 = arith.constant 0 : i32
      %dma_wait3A_102 = tpu.memref_slice %arg6[%dma_wait3A, %dma_wait3A_100, %dma_wait3A_101] : memref<4x200x128xf32, #tpu.memory_space<vmem>> -> memref<1x200x128xf32, #tpu.memory_space<vmem>>
      %dma_wait3A_103 = tpu.memref_squeeze %dma_wait3A_102 : memref<1x200x128xf32, #tpu.memory_space<vmem>> -> memref<200x128xf32, #tpu.memory_space<vmem>>
      %dma_wait3A_104 = arith.constant 0 : i32
      %dma_wait3A_105 = arith.constant 0 : i32
      %dma_wait3A_106 = tpu.memref_slice %arg3[%dma_wait3A_104, %dma_wait3A_105] : memref<100000x128xf32, #tpu.memory_space<hbm>> -> memref<200x128xf32, #tpu.memory_space<hbm>>
      tpu.wait_dma2 semaphore(%arg8 : memref<!tpu.dma_semaphore, #tpu.memory_space<semaphore_mem>>) src(%dma_wait3A_106 : memref<200x128xf32, #tpu.memory_space<hbm>>) dst(%dma_wait3A_103 : memref<200x128xf32, #tpu.memory_space<vmem>>)
      %scan3A_107 = arith.constant 0 : i32
      %scan3A_108 = arith.constant 200 : i32
      %scan3A_109 = arith.addi %scan3A_107, %scan3A_108 : i32
      %scan3A_110 = arith.constant 2 : i32
      %scan3A_111:8 = scf.for %scan3A_369 = %scan3A_107 to %scan3A_109 step %scan3A_110 iter_args(%scan3A_370 = %broadcast_in_dim3A_76, %scan3A_371 = %broadcast_in_dim3A_76, %scan3A_372 = %broadcast_in_dim3A_76, %scan3A_373 = %broadcast_in_dim3A_76, %scan3A_374 = %broadcast_in_dim3A_76, %scan3A_375 = %broadcast_in_dim3A_76, %scan3A_376 = %broadcast_in_dim3A_76, %scan3A_377 = %broadcast_in_dim3A_76) -> (vector<16xf32>, vector<16xf32>, vector<16xf32>, vector<16xf32>, vector<16xf32>, vector<16xf32>, vector<16xf32>, vector<16xf32>)  : i32 {
        %get3A = arith.constant 0 : i32
        %get3A_378 = arith.index_cast %get3A : i32 to index
        %get3A_379 = arith.index_cast %scan3A_369 : i32 to index
        %get3A_380 = arith.constant 0 : index
        %get3A_381 = tpu.vector_load %arg6[%get3A_378, %get3A_379, %get3A_380] {strides = array<i32>} : memref<4x200x128xf32, #tpu.memory_space<vmem>>, vector<1x1x16xf32>,
        %get3A_382 = vector.shape_cast %get3A_381 : vector<1x1x16xf32> to vector<16xf32>
        %add3A_383 = arith.addf %scan3A_370, %get3A_382 : vector<16xf32>
        %get3A_384 = arith.constant 0 : i32
        %get3A_385 = arith.index_cast %get3A_384 : i32 to index
        %get3A_386 = arith.index_cast %scan3A_369 : i32 to index
        %get3A_387 = arith.constant 16 : index
        %get3A_388 = tpu.vector_load %arg6[%get3A_385, %get3A_386, %get3A_387] {strides = array<i32>} : memref<4x200x128xf32, #tpu.memory_space<vmem>>, vector<1x1x16xf32>,
        %get3A_389 = vector.shape_cast %get3A_388 : vector<1x1x16xf32> to vector<16xf32>
        %add3A_390 = arith.addf %scan3A_371, %get3A_389 : vector<16xf32>
        %get3A_391 = arith.constant 0 : i32
        %get3A_392 = arith.index_cast %get3A_391 : i32 to index
        %get3A_393 = arith.index_cast %scan3A_369 : i32 to index
        %get3A_394 = arith.constant 32 : index
        %get3A_395 = tpu.vector_load %arg6[%get3A_392, %get3A_393, %get3A_394] {strides = array<i32>} : memref<4x200x128xf32, #tpu.memory_space<vmem>>, vector<1x1x16xf32>,
        %get3A_396 = vector.shape_cast %get3A_395 : vector<1x1x16xf32> to vector<16xf32>
        %add3A_397 = arith.addf %scan3A_372, %get3A_396 : vector<16xf32>
        %get3A_398 = arith.constant 0 : i32
        %get3A_399 = arith.index_cast %get3A_398 : i32 to index
        %get3A_400 = arith.index_cast %scan3A_369 : i32 to index
        %get3A_401 = arith.constant 48 : index
        %get3A_402 = tpu.vector_load %arg6[%get3A_399, %get3A_400, %get3A_401] {strides = array<i32>} : memref<4x200x128xf32, #tpu.memory_space<vmem>>, vector<1x1x16xf32>,
        %get3A_403 = vector.shape_cast %get3A_402 : vector<1x1x16xf32> to vector<16xf32>
        %add3A_404 = arith.addf %scan3A_373, %get3A_403 : vector<16xf32>
        %get3A_405 = arith.constant 0 : i32
        %get3A_406 = arith.index_cast %get3A_405 : i32 to index
        %get3A_407 = arith.index_cast %scan3A_369 : i32 to index
        %get3A_408 = arith.constant 64 : index
        %get3A_409 = tpu.vector_load %arg6[%get3A_406, %get3A_407, %get3A_408] {strides = array<i32>} : memref<4x200x128xf32, #tpu.memory_space<vmem>>, vector<1x1x16xf32>,
        %get3A_410 = vector.shape_cast %get3A_409 : vector<1x1x16xf32> to vector<16xf32>
        %add3A_411 = arith.addf %scan3A_374, %get3A_410 : vector<16xf32>
        %get3A_412 = arith.constant 0 : i32
        %get3A_413 = arith.index_cast %get3A_412 : i32 to index
        %get3A_414 = arith.index_cast %scan3A_369 : i32 to index
        %get3A_415 = arith.constant 80 : index
        %get3A_416 = tpu.vector_load %arg6[%get3A_413, %get3A_414, %get3A_415] {strides = array<i32>} : memref<4x200x128xf32, #tpu.memory_space<vmem>>, vector<1x1x16xf32>,
        %get3A_417 = vector.shape_cast %get3A_416 : vector<1x1x16xf32> to vector<16xf32>
        %add3A_418 = arith.addf %scan3A_375, %get3A_417 : vector<16xf32>
        %get3A_419 = arith.constant 0 : i32
        %get3A_420 = arith.index_cast %get3A_419 : i32 to index
        %get3A_421 = arith.index_cast %scan3A_369 : i32 to index
        %get3A_422 = arith.constant 96 : index
        %get3A_423 = tpu.vector_load %arg6[%get3A_420, %get3A_421, %get3A_422] {strides = array<i32>} : memref<4x200x128xf32, #tpu.memory_space<vmem>>, vector<1x1x16xf32>,
        %get3A_424 = vector.shape_cast %get3A_423 : vector<1x1x16xf32> to vector<16xf32>
        %add3A_425 = arith.addf %scan3A_376, %get3A_424 : vector<16xf32>
        %get3A_426 = arith.constant 0 : i32
        %get3A_427 = arith.index_cast %get3A_426 : i32 to index
        %get3A_428 = arith.index_cast %scan3A_369 : i32 to index
        %get3A_429 = arith.constant 112 : index
        %get3A_430 = tpu.vector_load %arg6[%get3A_427, %get3A_428, %get3A_429] {strides = array<i32>} : memref<4x200x128xf32, #tpu.memory_space<vmem>>, vector<1x1x16xf32>,
        %get3A_431 = vector.shape_cast %get3A_430 : vector<1x1x16xf32> to vector<16xf32>
        %add3A_432 = arith.addf %scan3A_377, %get3A_431 : vector<16xf32>
        %scan3A_433 = arith.constant 1 : i32
        %scan3A_434 = arith.addi %scan3A_369, %scan3A_433 : i32
        %get3A_435 = arith.constant 0 : i32
        %get3A_436 = arith.index_cast %get3A_435 : i32 to index
        %get3A_437 = arith.index_cast %scan3A_434 : i32 to index
        %get3A_438 = arith.constant 0 : index
        %get3A_439 = tpu.vector_load %arg6[%get3A_436, %get3A_437, %get3A_438] {strides = array<i32>} : memref<4x200x128xf32, #tpu.memory_space<vmem>>, vector<1x1x16xf32>,
        %get3A_440 = vector.shape_cast %get3A_439 : vector<1x1x16xf32> to vector<16xf32>
        %add3A_441 = arith.addf %add3A_383, %get3A_440 : vector<16xf32>
        %get3A_442 = arith.constant 0 : i32
        %get3A_443 = arith.index_cast %get3A_442 : i32 to index
        %get3A_444 = arith.index_cast %scan3A_434 : i32 to index
        %get3A_445 = arith.constant 16 : index
        %get3A_446 = tpu.vector_load %arg6[%get3A_443, %get3A_444, %get3A_445] {strides = array<i32>} : memref<4x200x128xf32, #tpu.memory_space<vmem>>, vector<1x1x16xf32>,
        %get3A_447 = vector.shape_cast %get3A_446 : vector<1x1x16xf32> to vector<16xf32>
        %add3A_448 = arith.addf %add3A_390, %get3A_447 : vector<16xf32>
        %get3A_449 = arith.constant 0 : i32
        %get3A_450 = arith.index_cast %get3A_449 : i32 to index
        %get3A_451 = arith.index_cast %scan3A_434 : i32 to index
        %get3A_452 = arith.constant 32 : index
        %get3A_453 = tpu.vector_load %arg6[%get3A_450, %get3A_451, %get3A_452] {strides = array<i32>} : memref<4x200x128xf32, #tpu.memory_space<vmem>>, vector<1x1x16xf32>,
        %get3A_454 = vector.shape_cast %get3A_453 : vector<1x1x16xf32> to vector<16xf32>
        %add3A_455 = arith.addf %add3A_397, %get3A_454 : vector<16xf32>
        %get3A_456 = arith.constant 0 : i32
        %get3A_457 = arith.index_cast %get3A_456 : i32 to index
        %get3A_458 = arith.index_cast %scan3A_434 : i32 to index
        %get3A_459 = arith.constant 48 : index
        %get3A_460 = tpu.vector_load %arg6[%get3A_457, %get3A_458, %get3A_459] {strides = array<i32>} : memref<4x200x128xf32, #tpu.memory_space<vmem>>, vector<1x1x16xf32>,
        %get3A_461 = vector.shape_cast %get3A_460 : vector<1x1x16xf32> to vector<16xf32>
        %add3A_462 = arith.addf %add3A_404, %get3A_461 : vector<16xf32>
        %get3A_463 = arith.constant 0 : i32
        %get3A_464 = arith.index_cast %get3A_463 : i32 to index
        %get3A_465 = arith.index_cast %scan3A_434 : i32 to index
        %get3A_466 = arith.constant 64 : index
        %get3A_467 = tpu.vector_load %arg6[%get3A_464, %get3A_465, %get3A_466] {strides = array<i32>} : memref<4x200x128xf32, #tpu.memory_space<vmem>>, vector<1x1x16xf32>,
        %get3A_468 = vector.shape_cast %get3A_467 : vector<1x1x16xf32> to vector<16xf32>
        %add3A_469 = arith.addf %add3A_411, %get3A_468 : vector<16xf32>
        %get3A_470 = arith.constant 0 : i32
        %get3A_471 = arith.index_cast %get3A_470 : i32 to index
        %get3A_472 = arith.index_cast %scan3A_434 : i32 to index
        %get3A_473 = arith.constant 80 : index
        %get3A_474 = tpu.vector_load %arg6[%get3A_471, %get3A_472, %get3A_473] {strides = array<i32>} : memref<4x200x128xf32, #tpu.memory_space<vmem>>, vector<1x1x16xf32>,
        %get3A_475 = vector.shape_cast %get3A_474 : vector<1x1x16xf32> to vector<16xf32>
        %add3A_476 = arith.addf %add3A_418, %get3A_475 : vector<16xf32>
        %get3A_477 = arith.constant 0 : i32
        %get3A_478 = arith.index_cast %get3A_477 : i32 to index
        %get3A_479 = arith.index_cast %scan3A_434 : i32 to index
        %get3A_480 = arith.constant 96 : index
        %get3A_481 = tpu.vector_load %arg6[%get3A_478, %get3A_479, %get3A_480] {strides = array<i32>} : memref<4x200x128xf32, #tpu.memory_space<vmem>>, vector<1x1x16xf32>,
        %get3A_482 = vector.shape_cast %get3A_481 : vector<1x1x16xf32> to vector<16xf32>
        %add3A_483 = arith.addf %add3A_425, %get3A_482 : vector<16xf32>
        %get3A_484 = arith.constant 0 : i32
        %get3A_485 = arith.index_cast %get3A_484 : i32 to index
        %get3A_486 = arith.index_cast %scan3A_434 : i32 to index
        %get3A_487 = arith.constant 112 : index
        %get3A_488 = tpu.vector_load %arg6[%get3A_485, %get3A_486, %get3A_487] {strides = array<i32>} : memref<4x200x128xf32, #tpu.memory_space<vmem>>, vector<1x1x16xf32>,
        %get3A_489 = vector.shape_cast %get3A_488 : vector<1x1x16xf32> to vector<16xf32>
        %add3A_490 = arith.addf %add3A_432, %get3A_489 : vector<16xf32>
        scf.yield %add3A_441, %add3A_448, %add3A_455, %add3A_462, %add3A_469, %add3A_476, %add3A_483, %add3A_490 : vector<16xf32>, vector<16xf32>, vector<16xf32>, vector<16xf32>, vector<16xf32>, vector<16xf32>, vector<16xf32>, vector<16xf32>
      }
      %scan3A_112 = arith.constant 200 : i32
      %swap3A = arith.index_cast %add3A_88 : i32 to index
      %swap3A_113 = arith.constant 0 : index
      %swap3A_114 = tpu.vector_load %arg7[%swap3A, %swap3A_113] {strides = array<i32>} : memref<32x128xf32, #tpu.memory_space<vmem>>, vector<1x16xf32>,
      %swap3A_115 = vector.shape_cast %swap3A_114 : vector<1x16xf32> to vector<16xf32>
      %swap3A_116 = vector.shape_cast %scan3A_111#0 : vector<16xf32> to vector<1x16xf32>
      tpu.vector_store %arg7[%swap3A, %swap3A_113], %swap3A_116 {strides = array<i32>} : memref<32x128xf32, #tpu.memory_space<vmem>>, vector<1x16xf32>,
      %swap3A_117 = arith.index_cast %add3A_88 : i32 to index
      %swap3A_118 = arith.constant 16 : index
      %swap3A_119 = tpu.vector_load %arg7[%swap3A_117, %swap3A_118] {strides = array<i32>} : memref<32x128xf32, #tpu.memory_space<vmem>>, vector<1x16xf32>,
      %swap3A_120 = vector.shape_cast %swap3A_119 : vector<1x16xf32> to vector<16xf32>
      %swap3A_121 = vector.shape_cast %scan3A_111#1 : vector<16xf32> to vector<1x16xf32>
      tpu.vector_store %arg7[%swap3A_117, %swap3A_118], %swap3A_121 {strides = array<i32>} : memref<32x128xf32, #tpu.memory_space<vmem>>, vector<1x16xf32>,
      %swap3A_122 = arith.index_cast %add3A_88 : i32 to index
      %swap3A_123 = arith.constant 32 : index
      %swap3A_124 = tpu.vector_load %arg7[%swap3A_122, %swap3A_123] {strides = array<i32>} : memref<32x128xf32, #tpu.memory_space<vmem>>, vector<1x16xf32>,
      %swap3A_125 = vector.shape_cast %swap3A_124 : vector<1x16xf32> to vector<16xf32>
      %swap3A_126 = vector.shape_cast %scan3A_111#2 : vector<16xf32> to vector<1x16xf32>
      tpu.vector_store %arg7[%swap3A_122, %swap3A_123], %swap3A_126 {strides = array<i32>} : memref<32x128xf32, #tpu.memory_space<vmem>>, vector<1x16xf32>,
      %swap3A_127 = arith.index_cast %add3A_88 : i32 to index
      %swap3A_128 = arith.constant 48 : index
      %swap3A_129 = tpu.vector_load %arg7[%swap3A_127, %swap3A_128] {strides = array<i32>} : memref<32x128xf32, #tpu.memory_space<vmem>>, vector<1x16xf32>,
      %swap3A_130 = vector.shape_cast %swap3A_129 : vector<1x16xf32> to vector<16xf32>
      %swap3A_131 = vector.shape_cast %scan3A_111#3 : vector<16xf32> to vector<1x16xf32>
      tpu.vector_store %arg7[%swap3A_127, %swap3A_128], %swap3A_131 {strides = array<i32>} : memref<32x128xf32, #tpu.memory_space<vmem>>, vector<1x16xf32>,
      %swap3A_132 = arith.index_cast %add3A_88 : i32 to index
      %swap3A_133 = arith.constant 64 : index
      %swap3A_134 = tpu.vector_load %arg7[%swap3A_132, %swap3A_133] {strides = array<i32>} : memref<32x128xf32, #tpu.memory_space<vmem>>, vector<1x16xf32>,
      %swap3A_135 = vector.shape_cast %swap3A_134 : vector<1x16xf32> to vector<16xf32>
      %swap3A_136 = vector.shape_cast %scan3A_111#4 : vector<16xf32> to vector<1x16xf32>
      tpu.vector_store %arg7[%swap3A_132, %swap3A_133], %swap3A_136 {strides = array<i32>} : memref<32x128xf32, #tpu.memory_space<vmem>>, vector<1x16xf32>,
      %swap3A_137 = arith.index_cast %add3A_88 : i32 to index
      %swap3A_138 = arith.constant 80 : index
      %swap3A_139 = tpu.vector_load %arg7[%swap3A_137, %swap3A_138] {strides = array<i32>} : memref<32x128xf32, #tpu.memory_space<vmem>>, vector<1x16xf32>,
      %swap3A_140 = vector.shape_cast %swap3A_139 : vector<1x16xf32> to vector<16xf32>
      %swap3A_141 = vector.shape_cast %scan3A_111#5 : vector<16xf32> to vector<1x16xf32>
      tpu.vector_store %arg7[%swap3A_137, %swap3A_138], %swap3A_141 {strides = array<i32>} : memref<32x128xf32, #tpu.memory_space<vmem>>, vector<1x16xf32>,
      %swap3A_142 = arith.index_cast %add3A_88 : i32 to index
      %swap3A_143 = arith.constant 96 : index
      %swap3A_144 = tpu.vector_load %arg7[%swap3A_142, %swap3A_143] {strides = array<i32>} : memref<32x128xf32, #tpu.memory_space<vmem>>, vector<1x16xf32>,
      %swap3A_145 = vector.shape_cast %swap3A_144 : vector<1x16xf32> to vector<16xf32>
      %swap3A_146 = vector.shape_cast %scan3A_111#6 : vector<16xf32> to vector<1x16xf32>
      tpu.vector_store %arg7[%swap3A_142, %swap3A_143], %swap3A_146 {strides = array<i32>} : memref<32x128xf32, #tpu.memory_space<vmem>>, vector<1x16xf32>,
      %swap3A_147 = arith.index_cast %add3A_88 : i32 to index
      %swap3A_148 = arith.constant 112 : index
      %swap3A_149 = tpu.vector_load %arg7[%swap3A_147, %swap3A_148] {strides = array<i32>} : memref<32x128xf32, #tpu.memory_space<vmem>>, vector<1x16xf32>,
      %swap3A_150 = vector.shape_cast %swap3A_149 : vector<1x16xf32> to vector<16xf32>
      %swap3A_151 = vector.shape_cast %scan3A_111#7 : vector<16xf32> to vector<1x16xf32>
      tpu.vector_store %arg7[%swap3A_147, %swap3A_148], %swap3A_151 {strides = array<i32>} : memref<32x128xf32, #tpu.memory_space<vmem>>, vector<1x16xf32>,
      %mul3A_152 = arith.constant 4 : i32
      %mul3A_153 = arith.muli %mul3A_152, %scan3A_83 : i32
      %add3A_154 = arith.constant 1 : i32
      %add3A_155 = arith.addi %mul3A_153, %add3A_154 : i32
      %add3A_156 = arith.constant 3 : i32
      %add3A_157 = arith.addi %add3A_155, %add3A_156 : i32
      %lt3A_158 = arith.constant 32 : i32
      %lt3A_159 = arith.cmpi slt, %add3A_157, %lt3A_158 : i32
      %convert_element_type3A_160 = arith.extui %lt3A_159 : i1 to i32
      %cond3A_161 = arith.constant 0 : i32
      %cond3A_162 = arith.cmpi ne, %convert_element_type3A_160, %cond3A_161 : i32
      scf.if %cond3A_162 {
        %mul3A_369 = arith.constant 2 : i32
        %mul3A_370 = arith.muli %mul3A_369, %add3A_157 : i32
        %dma_start3A_371 = arith.constant 0 : i32
        %dma_start3A_372 = arith.constant 0 : i32
        %dma_start3A_373 = arith.constant 0 : i32
        %dma_start3A_374 = tpu.memref_slice %arg6[%dma_start3A_371, %dma_start3A_372, %dma_start3A_373] : memref<4x200x128xf32, #tpu.memory_space<vmem>> -> memref<1x100x128xf32, #tpu.memory_space<vmem>>
        %dma_start3A_375 = tpu.memref_squeeze %dma_start3A_374 : memref<1x100x128xf32, #tpu.memory_space<vmem>> -> memref<100x128xf32, #tpu.memory_space<vmem>>
        %dma_start3A_376 = arith.constant 0 : i32
        %dma_start3A_377 = tpu.memref_slice %arg5[%mul3A_370, %dma_start3A_376] : memref<64x100xi32, #tpu.memory_space<vmem>> -> memref<1x100xi32, #tpu.memory_space<vmem>>
        %dma_start3A_378 = tpu.memref_squeeze %dma_start3A_377 : memref<1x100xi32, #tpu.memory_space<vmem>> -> memref<100xi32, #tpu.memory_space<vmem>>
        %dma_start3A_379 = arith.constant 0 : i32
        %dma_start3A_380 = arith.constant 0 : i32
        %dma_start3A_381 = tpu.memref_slice %arg3[%dma_start3A_379, %dma_start3A_380] : memref<100000x128xf32, #tpu.memory_space<hbm>> -> memref<100000x128xf32, #tpu.memory_space<hbm>>
        tpu.enqueue_indirect_dma source(%dma_start3A_381 : memref<100000x128xf32, #tpu.memory_space<hbm>>) target(%dma_start3A_375 : memref<100x128xf32, #tpu.memory_space<vmem>>) offsets(%dma_start3A_378 : memref<100xi32, #tpu.memory_space<vmem>>) semaphore(%arg8 : memref<!tpu.dma_semaphore, #tpu.memory_space<semaphore_mem>>)
        %mul3A_382 = arith.constant 2 : i32
        %mul3A_383 = arith.muli %mul3A_382, %add3A_157 : i32
        %add3A_384 = arith.constant 1 : i32
        %add3A_385 = arith.addi %mul3A_383, %add3A_384 : i32
        %dma_start3A_386 = arith.constant 0 : i32
        %dma_start3A_387 = arith.constant 100 : i32
        %dma_start3A_388 = arith.constant 0 : i32
        %dma_start3A_389 = tpu.memref_slice %arg6[%dma_start3A_386, %dma_start3A_387, %dma_start3A_388] : memref<4x200x128xf32, #tpu.memory_space<vmem>> -> memref<1x100x128xf32, #tpu.memory_space<vmem>>
        %dma_start3A_390 = tpu.memref_squeeze %dma_start3A_389 : memref<1x100x128xf32, #tpu.memory_space<vmem>> -> memref<100x128xf32, #tpu.memory_space<vmem>>
        %dma_start3A_391 = arith.constant 0 : i32
        %dma_start3A_392 = tpu.memref_slice %arg5[%add3A_385, %dma_start3A_391] : memref<64x100xi32, #tpu.memory_space<vmem>> -> memref<1x100xi32, #tpu.memory_space<vmem>>
        %dma_start3A_393 = tpu.memref_squeeze %dma_start3A_392 : memref<1x100xi32, #tpu.memory_space<vmem>> -> memref<100xi32, #tpu.memory_space<vmem>>
        %dma_start3A_394 = arith.constant 0 : i32
        %dma_start3A_395 = arith.constant 0 : i32
        %dma_start3A_396 = tpu.memref_slice %arg3[%dma_start3A_394, %dma_start3A_395] : memref<100000x128xf32, #tpu.memory_space<hbm>> -> memref<100000x128xf32, #tpu.memory_space<hbm>>
        tpu.enqueue_indirect_dma source(%dma_start3A_396 : memref<100000x128xf32, #tpu.memory_space<hbm>>) target(%dma_start3A_390 : memref<100x128xf32, #tpu.memory_space<vmem>>) offsets(%dma_start3A_393 : memref<100xi32, #tpu.memory_space<vmem>>) semaphore(%arg8 : memref<!tpu.dma_semaphore, #tpu.memory_space<semaphore_mem>>)
      } else {
      }
      %dma_wait3A_163 = arith.constant 1 : i32
      %dma_wait3A_164 = arith.constant 0 : i32
      %dma_wait3A_165 = arith.constant 0 : i32
      %dma_wait3A_166 = tpu.memref_slice %arg6[%dma_wait3A_163, %dma_wait3A_164, %dma_wait3A_165] : memref<4x200x128xf32, #tpu.memory_space<vmem>> -> memref<1x200x128xf32, #tpu.memory_space<vmem>>
      %dma_wait3A_167 = tpu.memref_squeeze %dma_wait3A_166 : memref<1x200x128xf32, #tpu.memory_space<vmem>> -> memref<200x128xf32, #tpu.memory_space<vmem>>
      %dma_wait3A_168 = arith.constant 0 : i32
      %dma_wait3A_169 = arith.constant 0 : i32
      %dma_wait3A_170 = tpu.memref_slice %arg3[%dma_wait3A_168, %dma_wait3A_169] : memref<100000x128xf32, #tpu.memory_space<hbm>> -> memref<200x128xf32, #tpu.memory_space<hbm>>
      %dma_wait3A_171 = arith.constant 0 : i32
      %dma_wait3A_172 = arith.constant 0 : i32
      %dma_wait3A_173 = tpu.memref_slice %arg6[%dma_wait3A_163, %dma_wait3A_171, %dma_wait3A_172] : memref<4x200x128xf32, #tpu.memory_space<vmem>> -> memref<1x200x128xf32, #tpu.memory_space<vmem>>
      %dma_wait3A_174 = tpu.memref_squeeze %dma_wait3A_173 : memref<1x200x128xf32, #tpu.memory_space<vmem>> -> memref<200x128xf32, #tpu.memory_space<vmem>>
      %dma_wait3A_175 = arith.constant 0 : i32
      %dma_wait3A_176 = arith.constant 0 : i32
      %dma_wait3A_177 = tpu.memref_slice %arg3[%dma_wait3A_175, %dma_wait3A_176] : memref<100000x128xf32, #tpu.memory_space<hbm>> -> memref<200x128xf32, #tpu.memory_space<hbm>>
      tpu.wait_dma2 semaphore(%arg9 : memref<!tpu.dma_semaphore, #tpu.memory_space<semaphore_mem>>) src(%dma_wait3A_177 : memref<200x128xf32, #tpu.memory_space<hbm>>) dst(%dma_wait3A_174 : memref<200x128xf32, #tpu.memory_space<vmem>>)
      %scan3A_178 = arith.constant 0 : i32
      %scan3A_179 = arith.constant 200 : i32
      %scan3A_180 = arith.addi %scan3A_178, %scan3A_179 : i32
      %scan3A_181 = arith.constant 2 : i32
      %scan3A_182:8 = scf.for %scan3A_369 = %scan3A_178 to %scan3A_180 step %scan3A_181 iter_args(%scan3A_370 = %broadcast_in_dim3A_76, %scan3A_371 = %broadcast_in_dim3A_76, %scan3A_372 = %broadcast_in_dim3A_76, %scan3A_373 = %broadcast_in_dim3A_76, %scan3A_374 = %broadcast_in_dim3A_76, %scan3A_375 = %broadcast_in_dim3A_76, %scan3A_376 = %broadcast_in_dim3A_76, %scan3A_377 = %broadcast_in_dim3A_76) -> (vector<16xf32>, vector<16xf32>, vector<16xf32>, vector<16xf32>, vector<16xf32>, vector<16xf32>, vector<16xf32>, vector<16xf32>)  : i32 {
        %get3A = arith.constant 1 : i32
        %get3A_378 = arith.index_cast %get3A : i32 to index
        %get3A_379 = arith.index_cast %scan3A_369 : i32 to index
        %get3A_380 = arith.constant 0 : index
        %get3A_381 = tpu.vector_load %arg6[%get3A_378, %get3A_379, %get3A_380] {strides = array<i32>} : memref<4x200x128xf32, #tpu.memory_space<vmem>>, vector<1x1x16xf32>,
        %get3A_382 = vector.shape_cast %get3A_381 : vector<1x1x16xf32> to vector<16xf32>
        %add3A_383 = arith.addf %scan3A_370, %get3A_382 : vector<16xf32>
        %get3A_384 = arith.constant 1 : i32
        %get3A_385 = arith.index_cast %get3A_384 : i32 to index
        %get3A_386 = arith.index_cast %scan3A_369 : i32 to index
        %get3A_387 = arith.constant 16 : index
        %get3A_388 = tpu.vector_load %arg6[%get3A_385, %get3A_386, %get3A_387] {strides = array<i32>} : memref<4x200x128xf32, #tpu.memory_space<vmem>>, vector<1x1x16xf32>,
        %get3A_389 = vector.shape_cast %get3A_388 : vector<1x1x16xf32> to vector<16xf32>
        %add3A_390 = arith.addf %scan3A_371, %get3A_389 : vector<16xf32>
        %get3A_391 = arith.constant 1 : i32
        %get3A_392 = arith.index_cast %get3A_391 : i32 to index
        %get3A_393 = arith.index_cast %scan3A_369 : i32 to index
        %get3A_394 = arith.constant 32 : index
        %get3A_395 = tpu.vector_load %arg6[%get3A_392, %get3A_393, %get3A_394] {strides = array<i32>} : memref<4x200x128xf32, #tpu.memory_space<vmem>>, vector<1x1x16xf32>,
        %get3A_396 = vector.shape_cast %get3A_395 : vector<1x1x16xf32> to vector<16xf32>
        %add3A_397 = arith.addf %scan3A_372, %get3A_396 : vector<16xf32>
        %get3A_398 = arith.constant 1 : i32
        %get3A_399 = arith.index_cast %get3A_398 : i32 to index
        %get3A_400 = arith.index_cast %scan3A_369 : i32 to index
        %get3A_401 = arith.constant 48 : index
        %get3A_402 = tpu.vector_load %arg6[%get3A_399, %get3A_400, %get3A_401] {strides = array<i32>} : memref<4x200x128xf32, #tpu.memory_space<vmem>>, vector<1x1x16xf32>,
        %get3A_403 = vector.shape_cast %get3A_402 : vector<1x1x16xf32> to vector<16xf32>
        %add3A_404 = arith.addf %scan3A_373, %get3A_403 : vector<16xf32>
        %get3A_405 = arith.constant 1 : i32
        %get3A_406 = arith.index_cast %get3A_405 : i32 to index
        %get3A_407 = arith.index_cast %scan3A_369 : i32 to index
        %get3A_408 = arith.constant 64 : index
        %get3A_409 = tpu.vector_load %arg6[%get3A_406, %get3A_407, %get3A_408] {strides = array<i32>} : memref<4x200x128xf32, #tpu.memory_space<vmem>>, vector<1x1x16xf32>,
        %get3A_410 = vector.shape_cast %get3A_409 : vector<1x1x16xf32> to vector<16xf32>
        %add3A_411 = arith.addf %scan3A_374, %get3A_410 : vector<16xf32>
        %get3A_412 = arith.constant 1 : i32
        %get3A_413 = arith.index_cast %get3A_412 : i32 to index
        %get3A_414 = arith.index_cast %scan3A_369 : i32 to index
        %get3A_415 = arith.constant 80 : index
        %get3A_416 = tpu.vector_load %arg6[%get3A_413, %get3A_414, %get3A_415] {strides = array<i32>} : memref<4x200x128xf32, #tpu.memory_space<vmem>>, vector<1x1x16xf32>,
        %get3A_417 = vector.shape_cast %get3A_416 : vector<1x1x16xf32> to vector<16xf32>
        %add3A_418 = arith.addf %scan3A_375, %get3A_417 : vector<16xf32>
        %get3A_419 = arith.constant 1 : i32
        %get3A_420 = arith.index_cast %get3A_419 : i32 to index
        %get3A_421 = arith.index_cast %scan3A_369 : i32 to index
        %get3A_422 = arith.constant 96 : index
        %get3A_423 = tpu.vector_load %arg6[%get3A_420, %get3A_421, %get3A_422] {strides = array<i32>} : memref<4x200x128xf32, #tpu.memory_space<vmem>>, vector<1x1x16xf32>,
        %get3A_424 = vector.shape_cast %get3A_423 : vector<1x1x16xf32> to vector<16xf32>
        %add3A_425 = arith.addf %scan3A_376, %get3A_424 : vector<16xf32>
        %get3A_426 = arith.constant 1 : i32
        %get3A_427 = arith.index_cast %get3A_426 : i32 to index
        %get3A_428 = arith.index_cast %scan3A_369 : i32 to index
        %get3A_429 = arith.constant 112 : index
        %get3A_430 = tpu.vector_load %arg6[%get3A_427, %get3A_428, %get3A_429] {strides = array<i32>} : memref<4x200x128xf32, #tpu.memory_space<vmem>>, vector<1x1x16xf32>,
        %get3A_431 = vector.shape_cast %get3A_430 : vector<1x1x16xf32> to vector<16xf32>
        %add3A_432 = arith.addf %scan3A_377, %get3A_431 : vector<16xf32>
        %scan3A_433 = arith.constant 1 : i32
        %scan3A_434 = arith.addi %scan3A_369, %scan3A_433 : i32
        %get3A_435 = arith.constant 1 : i32
        %get3A_436 = arith.index_cast %get3A_435 : i32 to index
        %get3A_437 = arith.index_cast %scan3A_434 : i32 to index
        %get3A_438 = arith.constant 0 : index
        %get3A_439 = tpu.vector_load %arg6[%get3A_436, %get3A_437, %get3A_438] {strides = array<i32>} : memref<4x200x128xf32, #tpu.memory_space<vmem>>, vector<1x1x16xf32>,
        %get3A_440 = vector.shape_cast %get3A_439 : vector<1x1x16xf32> to vector<16xf32>
        %add3A_441 = arith.addf %add3A_383, %get3A_440 : vector<16xf32>
        %get3A_442 = arith.constant 1 : i32
        %get3A_443 = arith.index_cast %get3A_442 : i32 to index
        %get3A_444 = arith.index_cast %scan3A_434 : i32 to index
        %get3A_445 = arith.constant 16 : index
        %get3A_446 = tpu.vector_load %arg6[%get3A_443, %get3A_444, %get3A_445] {strides = array<i32>} : memref<4x200x128xf32, #tpu.memory_space<vmem>>, vector<1x1x16xf32>,
        %get3A_447 = vector.shape_cast %get3A_446 : vector<1x1x16xf32> to vector<16xf32>
        %add3A_448 = arith.addf %add3A_390, %get3A_447 : vector<16xf32>
        %get3A_449 = arith.constant 1 : i32
        %get3A_450 = arith.index_cast %get3A_449 : i32 to index
        %get3A_451 = arith.index_cast %scan3A_434 : i32 to index
        %get3A_452 = arith.constant 32 : index
        %get3A_453 = tpu.vector_load %arg6[%get3A_450, %get3A_451, %get3A_452] {strides = array<i32>} : memref<4x200x128xf32, #tpu.memory_space<vmem>>, vector<1x1x16xf32>,
        %get3A_454 = vector.shape_cast %get3A_453 : vector<1x1x16xf32> to vector<16xf32>
        %add3A_455 = arith.addf %add3A_397, %get3A_454 : vector<16xf32>
        %get3A_456 = arith.constant 1 : i32
        %get3A_457 = arith.index_cast %get3A_456 : i32 to index
        %get3A_458 = arith.index_cast %scan3A_434 : i32 to index
        %get3A_459 = arith.constant 48 : index
        %get3A_460 = tpu.vector_load %arg6[%get3A_457, %get3A_458, %get3A_459] {strides = array<i32>} : memref<4x200x128xf32, #tpu.memory_space<vmem>>, vector<1x1x16xf32>,
        %get3A_461 = vector.shape_cast %get3A_460 : vector<1x1x16xf32> to vector<16xf32>
        %add3A_462 = arith.addf %add3A_404, %get3A_461 : vector<16xf32>
        %get3A_463 = arith.constant 1 : i32
        %get3A_464 = arith.index_cast %get3A_463 : i32 to index
        %get3A_465 = arith.index_cast %scan3A_434 : i32 to index
        %get3A_466 = arith.constant 64 : index
        %get3A_467 = tpu.vector_load %arg6[%get3A_464, %get3A_465, %get3A_466] {strides = array<i32>} : memref<4x200x128xf32, #tpu.memory_space<vmem>>, vector<1x1x16xf32>,
        %get3A_468 = vector.shape_cast %get3A_467 : vector<1x1x16xf32> to vector<16xf32>
        %add3A_469 = arith.addf %add3A_411, %get3A_468 : vector<16xf32>
        %get3A_470 = arith.constant 1 : i32
        %get3A_471 = arith.index_cast %get3A_470 : i32 to index
        %get3A_472 = arith.index_cast %scan3A_434 : i32 to index
        %get3A_473 = arith.constant 80 : index
        %get3A_474 = tpu.vector_load %arg6[%get3A_471, %get3A_472, %get3A_473] {strides = array<i32>} : memref<4x200x128xf32, #tpu.memory_space<vmem>>, vector<1x1x16xf32>,
        %get3A_475 = vector.shape_cast %get3A_474 : vector<1x1x16xf32> to vector<16xf32>
        %add3A_476 = arith.addf %add3A_418, %get3A_475 : vector<16xf32>
        %get3A_477 = arith.constant 1 : i32
        %get3A_478 = arith.index_cast %get3A_477 : i32 to index
        %get3A_479 = arith.index_cast %scan3A_434 : i32 to index
        %get3A_480 = arith.constant 96 : index
        %get3A_481 = tpu.vector_load %arg6[%get3A_478, %get3A_479, %get3A_480] {strides = array<i32>} : memref<4x200x128xf32, #tpu.memory_space<vmem>>, vector<1x1x16xf32>,
        %get3A_482 = vector.shape_cast %get3A_481 : vector<1x1x16xf32> to vector<16xf32>
        %add3A_483 = arith.addf %add3A_425, %get3A_482 : vector<16xf32>
        %get3A_484 = arith.constant 1 : i32
        %get3A_485 = arith.index_cast %get3A_484 : i32 to index
        %get3A_486 = arith.index_cast %scan3A_434 : i32 to index
        %get3A_487 = arith.constant 112 : index
        %get3A_488 = tpu.vector_load %arg6[%get3A_485, %get3A_486, %get3A_487] {strides = array<i32>} : memref<4x200x128xf32, #tpu.memory_space<vmem>>, vector<1x1x16xf32>,
        %get3A_489 = vector.shape_cast %get3A_488 : vector<1x1x16xf32> to vector<16xf32>
        %add3A_490 = arith.addf %add3A_432, %get3A_489 : vector<16xf32>
        scf.yield %add3A_441, %add3A_448, %add3A_455, %add3A_462, %add3A_469, %add3A_476, %add3A_483, %add3A_490 : vector<16xf32>, vector<16xf32>, vector<16xf32>, vector<16xf32>, vector<16xf32>, vector<16xf32>, vector<16xf32>, vector<16xf32>
      }
      %scan3A_183 = arith.constant 200 : i32
      %swap3A_184 = arith.index_cast %add3A_155 : i32 to index
      %swap3A_185 = arith.constant 0 : index
      %swap3A_186 = tpu.vector_load %arg7[%swap3A_184, %swap3A_185] {strides = array<i32>} : memref<32x128xf32, #tpu.memory_space<vmem>>, vector<1x16xf32>,
      %swap3A_187 = vector.shape_cast %swap3A_186 : vector<1x16xf32> to vector<16xf32>
      %swap3A_188 = vector.shape_cast %scan3A_182#0 : vector<16xf32> to vector<1x16xf32>
      tpu.vector_store %arg7[%swap3A_184, %swap3A_185], %swap3A_188 {strides = array<i32>} : memref<32x128xf32, #tpu.memory_space<vmem>>, vector<1x16xf32>,
      %swap3A_189 = arith.index_cast %add3A_155 : i32 to index
      %swap3A_190 = arith.constant 16 : index
      %swap3A_191 = tpu.vector_load %arg7[%swap3A_189, %swap3A_190] {strides = array<i32>} : memref<32x128xf32, #tpu.memory_space<vmem>>, vector<1x16xf32>,
      %swap3A_192 = vector.shape_cast %swap3A_191 : vector<1x16xf32> to vector<16xf32>
      %swap3A_193 = vector.shape_cast %scan3A_182#1 : vector<16xf32> to vector<1x16xf32>
      tpu.vector_store %arg7[%swap3A_189, %swap3A_190], %swap3A_193 {strides = array<i32>} : memref<32x128xf32, #tpu.memory_space<vmem>>, vector<1x16xf32>,
      %swap3A_194 = arith.index_cast %add3A_155 : i32 to index
      %swap3A_195 = arith.constant 32 : index
      %swap3A_196 = tpu.vector_load %arg7[%swap3A_194, %swap3A_195] {strides = array<i32>} : memref<32x128xf32, #tpu.memory_space<vmem>>, vector<1x16xf32>,
      %swap3A_197 = vector.shape_cast %swap3A_196 : vector<1x16xf32> to vector<16xf32>
      %swap3A_198 = vector.shape_cast %scan3A_182#2 : vector<16xf32> to vector<1x16xf32>
      tpu.vector_store %arg7[%swap3A_194, %swap3A_195], %swap3A_198 {strides = array<i32>} : memref<32x128xf32, #tpu.memory_space<vmem>>, vector<1x16xf32>,
      %swap3A_199 = arith.index_cast %add3A_155 : i32 to index
      %swap3A_200 = arith.constant 48 : index
      %swap3A_201 = tpu.vector_load %arg7[%swap3A_199, %swap3A_200] {strides = array<i32>} : memref<32x128xf32, #tpu.memory_space<vmem>>, vector<1x16xf32>,
      %swap3A_202 = vector.shape_cast %swap3A_201 : vector<1x16xf32> to vector<16xf32>
      %swap3A_203 = vector.shape_cast %scan3A_182#3 : vector<16xf32> to vector<1x16xf32>
      tpu.vector_store %arg7[%swap3A_199, %swap3A_200], %swap3A_203 {strides = array<i32>} : memref<32x128xf32, #tpu.memory_space<vmem>>, vector<1x16xf32>,
      %swap3A_204 = arith.index_cast %add3A_155 : i32 to index
      %swap3A_205 = arith.constant 64 : index
      %swap3A_206 = tpu.vector_load %arg7[%swap3A_204, %swap3A_205] {strides = array<i32>} : memref<32x128xf32, #tpu.memory_space<vmem>>, vector<1x16xf32>,
      %swap3A_207 = vector.shape_cast %swap3A_206 : vector<1x16xf32> to vector<16xf32>
      %swap3A_208 = vector.shape_cast %scan3A_182#4 : vector<16xf32> to vector<1x16xf32>
      tpu.vector_store %arg7[%swap3A_204, %swap3A_205], %swap3A_208 {strides = array<i32>} : memref<32x128xf32, #tpu.memory_space<vmem>>, vector<1x16xf32>,
      %swap3A_209 = arith.index_cast %add3A_155 : i32 to index
      %swap3A_210 = arith.constant 80 : index
      %swap3A_211 = tpu.vector_load %arg7[%swap3A_209, %swap3A_210] {strides = array<i32>} : memref<32x128xf32, #tpu.memory_space<vmem>>, vector<1x16xf32>,
      %swap3A_212 = vector.shape_cast %swap3A_211 : vector<1x16xf32> to vector<16xf32>
      %swap3A_213 = vector.shape_cast %scan3A_182#5 : vector<16xf32> to vector<1x16xf32>
      tpu.vector_store %arg7[%swap3A_209, %swap3A_210], %swap3A_213 {strides = array<i32>} : memref<32x128xf32, #tpu.memory_space<vmem>>, vector<1x16xf32>,
      %swap3A_214 = arith.index_cast %add3A_155 : i32 to index
      %swap3A_215 = arith.constant 96 : index
      %swap3A_216 = tpu.vector_load %arg7[%swap3A_214, %swap3A_215] {strides = array<i32>} : memref<32x128xf32, #tpu.memory_space<vmem>>, vector<1x16xf32>,
      %swap3A_217 = vector.shape_cast %swap3A_216 : vector<1x16xf32> to vector<16xf32>
      %swap3A_218 = vector.shape_cast %scan3A_182#6 : vector<16xf32> to vector<1x16xf32>
      tpu.vector_store %arg7[%swap3A_214, %swap3A_215], %swap3A_218 {strides = array<i32>} : memref<32x128xf32, #tpu.memory_space<vmem>>, vector<1x16xf32>,
      %swap3A_219 = arith.index_cast %add3A_155 : i32 to index
      %swap3A_220 = arith.constant 112 : index
      %swap3A_221 = tpu.vector_load %arg7[%swap3A_219, %swap3A_220] {strides = array<i32>} : memref<32x128xf32, #tpu.memory_space<vmem>>, vector<1x16xf32>,
      %swap3A_222 = vector.shape_cast %swap3A_221 : vector<1x16xf32> to vector<16xf32>
      %swap3A_223 = vector.shape_cast %scan3A_182#7 : vector<16xf32> to vector<1x16xf32>
      tpu.vector_store %arg7[%swap3A_219, %swap3A_220], %swap3A_223 {strides = array<i32>} : memref<32x128xf32, #tpu.memory_space<vmem>>, vector<1x16xf32>,
      %mul3A_224 = arith.constant 4 : i32
      %mul3A_225 = arith.muli %mul3A_224, %scan3A_83 : i32
      %add3A_226 = arith.constant 2 : i32
      %add3A_227 = arith.addi %mul3A_225, %add3A_226 : i32
      %add3A_228 = arith.constant 3 : i32
      %add3A_229 = arith.addi %add3A_227, %add3A_228 : i32
      %lt3A_230 = arith.constant 32 : i32
      %lt3A_231 = arith.cmpi slt, %add3A_229, %lt3A_230 : i32
      %convert_element_type3A_232 = arith.extui %lt3A_231 : i1 to i32
      %cond3A_233 = arith.constant 0 : i32
      %cond3A_234 = arith.cmpi ne, %convert_element_type3A_232, %cond3A_233 : i32
      scf.if %cond3A_234 {
        %mul3A_369 = arith.constant 2 : i32
        %mul3A_370 = arith.muli %mul3A_369, %add3A_229 : i32
        %dma_start3A_371 = arith.constant 1 : i32
        %dma_start3A_372 = arith.constant 0 : i32
        %dma_start3A_373 = arith.constant 0 : i32
        %dma_start3A_374 = tpu.memref_slice %arg6[%dma_start3A_371, %dma_start3A_372, %dma_start3A_373] : memref<4x200x128xf32, #tpu.memory_space<vmem>> -> memref<1x100x128xf32, #tpu.memory_space<vmem>>
        %dma_start3A_375 = tpu.memref_squeeze %dma_start3A_374 : memref<1x100x128xf32, #tpu.memory_space<vmem>> -> memref<100x128xf32, #tpu.memory_space<vmem>>
        %dma_start3A_376 = arith.constant 0 : i32
        %dma_start3A_377 = tpu.memref_slice %arg5[%mul3A_370, %dma_start3A_376] : memref<64x100xi32, #tpu.memory_space<vmem>> -> memref<1x100xi32, #tpu.memory_space<vmem>>
        %dma_start3A_378 = tpu.memref_squeeze %dma_start3A_377 : memref<1x100xi32, #tpu.memory_space<vmem>> -> memref<100xi32, #tpu.memory_space<vmem>>
        %dma_start3A_379 = arith.constant 0 : i32
        %dma_start3A_380 = arith.constant 0 : i32
        %dma_start3A_381 = tpu.memref_slice %arg3[%dma_start3A_379, %dma_start3A_380] : memref<100000x128xf32, #tpu.memory_space<hbm>> -> memref<100000x128xf32, #tpu.memory_space<hbm>>
        tpu.enqueue_indirect_dma source(%dma_start3A_381 : memref<100000x128xf32, #tpu.memory_space<hbm>>) target(%dma_start3A_375 : memref<100x128xf32, #tpu.memory_space<vmem>>) offsets(%dma_start3A_378 : memref<100xi32, #tpu.memory_space<vmem>>) semaphore(%arg9 : memref<!tpu.dma_semaphore, #tpu.memory_space<semaphore_mem>>)
        %mul3A_382 = arith.constant 2 : i32
        %mul3A_383 = arith.muli %mul3A_382, %add3A_229 : i32
        %add3A_384 = arith.constant 1 : i32
        %add3A_385 = arith.addi %mul3A_383, %add3A_384 : i32
        %dma_start3A_386 = arith.constant 1 : i32
        %dma_start3A_387 = arith.constant 100 : i32
        %dma_start3A_388 = arith.constant 0 : i32
        %dma_start3A_389 = tpu.memref_slice %arg6[%dma_start3A_386, %dma_start3A_387, %dma_start3A_388] : memref<4x200x128xf32, #tpu.memory_space<vmem>> -> memref<1x100x128xf32, #tpu.memory_space<vmem>>
        %dma_start3A_390 = tpu.memref_squeeze %dma_start3A_389 : memref<1x100x128xf32, #tpu.memory_space<vmem>> -> memref<100x128xf32, #tpu.memory_space<vmem>>
        %dma_start3A_391 = arith.constant 0 : i32
        %dma_start3A_392 = tpu.memref_slice %arg5[%add3A_385, %dma_start3A_391] : memref<64x100xi32, #tpu.memory_space<vmem>> -> memref<1x100xi32, #tpu.memory_space<vmem>>
        %dma_start3A_393 = tpu.memref_squeeze %dma_start3A_392 : memref<1x100xi32, #tpu.memory_space<vmem>> -> memref<100xi32, #tpu.memory_space<vmem>>
        %dma_start3A_394 = arith.constant 0 : i32
        %dma_start3A_395 = arith.constant 0 : i32
        %dma_start3A_396 = tpu.memref_slice %arg3[%dma_start3A_394, %dma_start3A_395] : memref<100000x128xf32, #tpu.memory_space<hbm>> -> memref<100000x128xf32, #tpu.memory_space<hbm>>
        tpu.enqueue_indirect_dma source(%dma_start3A_396 : memref<100000x128xf32, #tpu.memory_space<hbm>>) target(%dma_start3A_390 : memref<100x128xf32, #tpu.memory_space<vmem>>) offsets(%dma_start3A_393 : memref<100xi32, #tpu.memory_space<vmem>>) semaphore(%arg9 : memref<!tpu.dma_semaphore, #tpu.memory_space<semaphore_mem>>)
      } else {
      }
      %dma_wait3A_235 = arith.constant 2 : i32
      %dma_wait3A_236 = arith.constant 0 : i32
      %dma_wait3A_237 = arith.constant 0 : i32
      %dma_wait3A_238 = tpu.memref_slice %arg6[%dma_wait3A_235, %dma_wait3A_236, %dma_wait3A_237] : memref<4x200x128xf32, #tpu.memory_space<vmem>> -> memref<1x200x128xf32, #tpu.memory_space<vmem>>
      %dma_wait3A_239 = tpu.memref_squeeze %dma_wait3A_238 : memref<1x200x128xf32, #tpu.memory_space<vmem>> -> memref<200x128xf32, #tpu.memory_space<vmem>>
      %dma_wait3A_240 = arith.constant 0 : i32
      %dma_wait3A_241 = arith.constant 0 : i32
      %dma_wait3A_242 = tpu.memref_slice %arg3[%dma_wait3A_240, %dma_wait3A_241] : memref<100000x128xf32, #tpu.memory_space<hbm>> -> memref<200x128xf32, #tpu.memory_space<hbm>>
      %dma_wait3A_243 = arith.constant 0 : i32
      %dma_wait3A_244 = arith.constant 0 : i32
      %dma_wait3A_245 = tpu.memref_slice %arg6[%dma_wait3A_235, %dma_wait3A_243, %dma_wait3A_244] : memref<4x200x128xf32, #tpu.memory_space<vmem>> -> memref<1x200x128xf32, #tpu.memory_space<vmem>>
      %dma_wait3A_246 = tpu.memref_squeeze %dma_wait3A_245 : memref<1x200x128xf32, #tpu.memory_space<vmem>> -> memref<200x128xf32, #tpu.memory_space<vmem>>
      %dma_wait3A_247 = arith.constant 0 : i32
      %dma_wait3A_248 = arith.constant 0 : i32
      %dma_wait3A_249 = tpu.memref_slice %arg3[%dma_wait3A_247, %dma_wait3A_248] : memref<100000x128xf32, #tpu.memory_space<hbm>> -> memref<200x128xf32, #tpu.memory_space<hbm>>
      tpu.wait_dma2 semaphore(%arg10 : memref<!tpu.dma_semaphore, #tpu.memory_space<semaphore_mem>>) src(%dma_wait3A_249 : memref<200x128xf32, #tpu.memory_space<hbm>>) dst(%dma_wait3A_246 : memref<200x128xf32, #tpu.memory_space<vmem>>)
      %scan3A_250 = arith.constant 0 : i32
      %scan3A_251 = arith.constant 200 : i32
      %scan3A_252 = arith.addi %scan3A_250, %scan3A_251 : i32
      %scan3A_253 = arith.constant 2 : i32
      %scan3A_254:8 = scf.for %scan3A_369 = %scan3A_250 to %scan3A_252 step %scan3A_253 iter_args(%scan3A_370 = %broadcast_in_dim3A_76, %scan3A_371 = %broadcast_in_dim3A_76, %scan3A_372 = %broadcast_in_dim3A_76, %scan3A_373 = %broadcast_in_dim3A_76, %scan3A_374 = %broadcast_in_dim3A_76, %scan3A_375 = %broadcast_in_dim3A_76, %scan3A_376 = %broadcast_in_dim3A_76, %scan3A_377 = %broadcast_in_dim3A_76) -> (vector<16xf32>, vector<16xf32>, vector<16xf32>, vector<16xf32>, vector<16xf32>, vector<16xf32>, vector<16xf32>, vector<16xf32>)  : i32 {
        %get3A = arith.constant 2 : i32
        %get3A_378 = arith.index_cast %get3A : i32 to index
        %get3A_379 = arith.index_cast %scan3A_369 : i32 to index
        %get3A_380 = arith.constant 0 : index
        %get3A_381 = tpu.vector_load %arg6[%get3A_378, %get3A_379, %get3A_380] {strides = array<i32>} : memref<4x200x128xf32, #tpu.memory_space<vmem>>, vector<1x1x16xf32>,
        %get3A_382 = vector.shape_cast %get3A_381 : vector<1x1x16xf32> to vector<16xf32>
        %add3A_383 = arith.addf %scan3A_370, %get3A_382 : vector<16xf32>
        %get3A_384 = arith.constant 2 : i32
        %get3A_385 = arith.index_cast %get3A_384 : i32 to index
        %get3A_386 = arith.index_cast %scan3A_369 : i32 to index
        %get3A_387 = arith.constant 16 : index
        %get3A_388 = tpu.vector_load %arg6[%get3A_385, %get3A_386, %get3A_387] {strides = array<i32>} : memref<4x200x128xf32, #tpu.memory_space<vmem>>, vector<1x1x16xf32>,
        %get3A_389 = vector.shape_cast %get3A_388 : vector<1x1x16xf32> to vector<16xf32>
        %add3A_390 = arith.addf %scan3A_371, %get3A_389 : vector<16xf32>
        %get3A_391 = arith.constant 2 : i32
        %get3A_392 = arith.index_cast %get3A_391 : i32 to index
        %get3A_393 = arith.index_cast %scan3A_369 : i32 to index
        %get3A_394 = arith.constant 32 : index
        %get3A_395 = tpu.vector_load %arg6[%get3A_392, %get3A_393, %get3A_394] {strides = array<i32>} : memref<4x200x128xf32, #tpu.memory_space<vmem>>, vector<1x1x16xf32>,
        %get3A_396 = vector.shape_cast %get3A_395 : vector<1x1x16xf32> to vector<16xf32>
        %add3A_397 = arith.addf %scan3A_372, %get3A_396 : vector<16xf32>
        %get3A_398 = arith.constant 2 : i32
        %get3A_399 = arith.index_cast %get3A_398 : i32 to index
        %get3A_400 = arith.index_cast %scan3A_369 : i32 to index
        %get3A_401 = arith.constant 48 : index
        %get3A_402 = tpu.vector_load %arg6[%get3A_399, %get3A_400, %get3A_401] {strides = array<i32>} : memref<4x200x128xf32, #tpu.memory_space<vmem>>, vector<1x1x16xf32>,
        %get3A_403 = vector.shape_cast %get3A_402 : vector<1x1x16xf32> to vector<16xf32>
        %add3A_404 = arith.addf %scan3A_373, %get3A_403 : vector<16xf32>
        %get3A_405 = arith.constant 2 : i32
        %get3A_406 = arith.index_cast %get3A_405 : i32 to index
        %get3A_407 = arith.index_cast %scan3A_369 : i32 to index
        %get3A_408 = arith.constant 64 : index
        %get3A_409 = tpu.vector_load %arg6[%get3A_406, %get3A_407, %get3A_408] {strides = array<i32>} : memref<4x200x128xf32, #tpu.memory_space<vmem>>, vector<1x1x16xf32>,
        %get3A_410 = vector.shape_cast %get3A_409 : vector<1x1x16xf32> to vector<16xf32>
        %add3A_411 = arith.addf %scan3A_374, %get3A_410 : vector<16xf32>
        %get3A_412 = arith.constant 2 : i32
        %get3A_413 = arith.index_cast %get3A_412 : i32 to index
        %get3A_414 = arith.index_cast %scan3A_369 : i32 to index
        %get3A_415 = arith.constant 80 : index
        %get3A_416 = tpu.vector_load %arg6[%get3A_413, %get3A_414, %get3A_415] {strides = array<i32>} : memref<4x200x128xf32, #tpu.memory_space<vmem>>, vector<1x1x16xf32>,
        %get3A_417 = vector.shape_cast %get3A_416 : vector<1x1x16xf32> to vector<16xf32>
        %add3A_418 = arith.addf %scan3A_375, %get3A_417 : vector<16xf32>
        %get3A_419 = arith.constant 2 : i32
        %get3A_420 = arith.index_cast %get3A_419 : i32 to index
        %get3A_421 = arith.index_cast %scan3A_369 : i32 to index
        %get3A_422 = arith.constant 96 : index
        %get3A_423 = tpu.vector_load %arg6[%get3A_420, %get3A_421, %get3A_422] {strides = array<i32>} : memref<4x200x128xf32, #tpu.memory_space<vmem>>, vector<1x1x16xf32>,
        %get3A_424 = vector.shape_cast %get3A_423 : vector<1x1x16xf32> to vector<16xf32>
        %add3A_425 = arith.addf %scan3A_376, %get3A_424 : vector<16xf32>
        %get3A_426 = arith.constant 2 : i32
        %get3A_427 = arith.index_cast %get3A_426 : i32 to index
        %get3A_428 = arith.index_cast %scan3A_369 : i32 to index
        %get3A_429 = arith.constant 112 : index
        %get3A_430 = tpu.vector_load %arg6[%get3A_427, %get3A_428, %get3A_429] {strides = array<i32>} : memref<4x200x128xf32, #tpu.memory_space<vmem>>, vector<1x1x16xf32>,
        %get3A_431 = vector.shape_cast %get3A_430 : vector<1x1x16xf32> to vector<16xf32>
        %add3A_432 = arith.addf %scan3A_377, %get3A_431 : vector<16xf32>
        %scan3A_433 = arith.constant 1 : i32
        %scan3A_434 = arith.addi %scan3A_369, %scan3A_433 : i32
        %get3A_435 = arith.constant 2 : i32
        %get3A_436 = arith.index_cast %get3A_435 : i32 to index
        %get3A_437 = arith.index_cast %scan3A_434 : i32 to index
        %get3A_438 = arith.constant 0 : index
        %get3A_439 = tpu.vector_load %arg6[%get3A_436, %get3A_437, %get3A_438] {strides = array<i32>} : memref<4x200x128xf32, #tpu.memory_space<vmem>>, vector<1x1x16xf32>,
        %get3A_440 = vector.shape_cast %get3A_439 : vector<1x1x16xf32> to vector<16xf32>
        %add3A_441 = arith.addf %add3A_383, %get3A_440 : vector<16xf32>
        %get3A_442 = arith.constant 2 : i32
        %get3A_443 = arith.index_cast %get3A_442 : i32 to index
        %get3A_444 = arith.index_cast %scan3A_434 : i32 to index
        %get3A_445 = arith.constant 16 : index
        %get3A_446 = tpu.vector_load %arg6[%get3A_443, %get3A_444, %get3A_445] {strides = array<i32>} : memref<4x200x128xf32, #tpu.memory_space<vmem>>, vector<1x1x16xf32>,
        %get3A_447 = vector.shape_cast %get3A_446 : vector<1x1x16xf32> to vector<16xf32>
        %add3A_448 = arith.addf %add3A_390, %get3A_447 : vector<16xf32>
        %get3A_449 = arith.constant 2 : i32
        %get3A_450 = arith.index_cast %get3A_449 : i32 to index
        %get3A_451 = arith.index_cast %scan3A_434 : i32 to index
        %get3A_452 = arith.constant 32 : index
        %get3A_453 = tpu.vector_load %arg6[%get3A_450, %get3A_451, %get3A_452] {strides = array<i32>} : memref<4x200x128xf32, #tpu.memory_space<vmem>>, vector<1x1x16xf32>,
        %get3A_454 = vector.shape_cast %get3A_453 : vector<1x1x16xf32> to vector<16xf32>
        %add3A_455 = arith.addf %add3A_397, %get3A_454 : vector<16xf32>
        %get3A_456 = arith.constant 2 : i32
        %get3A_457 = arith.index_cast %get3A_456 : i32 to index
        %get3A_458 = arith.index_cast %scan3A_434 : i32 to index
        %get3A_459 = arith.constant 48 : index
        %get3A_460 = tpu.vector_load %arg6[%get3A_457, %get3A_458, %get3A_459] {strides = array<i32>} : memref<4x200x128xf32, #tpu.memory_space<vmem>>, vector<1x1x16xf32>,
        %get3A_461 = vector.shape_cast %get3A_460 : vector<1x1x16xf32> to vector<16xf32>
        %add3A_462 = arith.addf %add3A_404, %get3A_461 : vector<16xf32>
        %get3A_463 = arith.constant 2 : i32
        %get3A_464 = arith.index_cast %get3A_463 : i32 to index
        %get3A_465 = arith.index_cast %scan3A_434 : i32 to index
        %get3A_466 = arith.constant 64 : index
        %get3A_467 = tpu.vector_load %arg6[%get3A_464, %get3A_465, %get3A_466] {strides = array<i32>} : memref<4x200x128xf32, #tpu.memory_space<vmem>>, vector<1x1x16xf32>,
        %get3A_468 = vector.shape_cast %get3A_467 : vector<1x1x16xf32> to vector<16xf32>
        %add3A_469 = arith.addf %add3A_411, %get3A_468 : vector<16xf32>
        %get3A_470 = arith.constant 2 : i32
        %get3A_471 = arith.index_cast %get3A_470 : i32 to index
        %get3A_472 = arith.index_cast %scan3A_434 : i32 to index
        %get3A_473 = arith.constant 80 : index
        %get3A_474 = tpu.vector_load %arg6[%get3A_471, %get3A_472, %get3A_473] {strides = array<i32>} : memref<4x200x128xf32, #tpu.memory_space<vmem>>, vector<1x1x16xf32>,
        %get3A_475 = vector.shape_cast %get3A_474 : vector<1x1x16xf32> to vector<16xf32>
        %add3A_476 = arith.addf %add3A_418, %get3A_475 : vector<16xf32>
        %get3A_477 = arith.constant 2 : i32
        %get3A_478 = arith.index_cast %get3A_477 : i32 to index
        %get3A_479 = arith.index_cast %scan3A_434 : i32 to index
        %get3A_480 = arith.constant 96 : index
        %get3A_481 = tpu.vector_load %arg6[%get3A_478, %get3A_479, %get3A_480] {strides = array<i32>} : memref<4x200x128xf32, #tpu.memory_space<vmem>>, vector<1x1x16xf32>,
        %get3A_482 = vector.shape_cast %get3A_481 : vector<1x1x16xf32> to vector<16xf32>
        %add3A_483 = arith.addf %add3A_425, %get3A_482 : vector<16xf32>
        %get3A_484 = arith.constant 2 : i32
        %get3A_485 = arith.index_cast %get3A_484 : i32 to index
        %get3A_486 = arith.index_cast %scan3A_434 : i32 to index
        %get3A_487 = arith.constant 112 : index
        %get3A_488 = tpu.vector_load %arg6[%get3A_485, %get3A_486, %get3A_487] {strides = array<i32>} : memref<4x200x128xf32, #tpu.memory_space<vmem>>, vector<1x1x16xf32>,
        %get3A_489 = vector.shape_cast %get3A_488 : vector<1x1x16xf32> to vector<16xf32>
        %add3A_490 = arith.addf %add3A_432, %get3A_489 : vector<16xf32>
        scf.yield %add3A_441, %add3A_448, %add3A_455, %add3A_462, %add3A_469, %add3A_476, %add3A_483, %add3A_490 : vector<16xf32>, vector<16xf32>, vector<16xf32>, vector<16xf32>, vector<16xf32>, vector<16xf32>, vector<16xf32>, vector<16xf32>
      }
      %scan3A_255 = arith.constant 200 : i32
      %swap3A_256 = arith.index_cast %add3A_227 : i32 to index
      %swap3A_257 = arith.constant 0 : index
      %swap3A_258 = tpu.vector_load %arg7[%swap3A_256, %swap3A_257] {strides = array<i32>} : memref<32x128xf32, #tpu.memory_space<vmem>>, vector<1x16xf32>,
      %swap3A_259 = vector.shape_cast %swap3A_258 : vector<1x16xf32> to vector<16xf32>
      %swap3A_260 = vector.shape_cast %scan3A_254#0 : vector<16xf32> to vector<1x16xf32>
      tpu.vector_store %arg7[%swap3A_256, %swap3A_257], %swap3A_260 {strides = array<i32>} : memref<32x128xf32, #tpu.memory_space<vmem>>, vector<1x16xf32>,
      %swap3A_261 = arith.index_cast %add3A_227 : i32 to index
      %swap3A_262 = arith.constant 16 : index
      %swap3A_263 = tpu.vector_load %arg7[%swap3A_261, %swap3A_262] {strides = array<i32>} : memref<32x128xf32, #tpu.memory_space<vmem>>, vector<1x16xf32>,
      %swap3A_264 = vector.shape_cast %swap3A_263 : vector<1x16xf32> to vector<16xf32>
      %swap3A_265 = vector.shape_cast %scan3A_254#1 : vector<16xf32> to vector<1x16xf32>
      tpu.vector_store %arg7[%swap3A_261, %swap3A_262], %swap3A_265 {strides = array<i32>} : memref<32x128xf32, #tpu.memory_space<vmem>>, vector<1x16xf32>,
      %swap3A_266 = arith.index_cast %add3A_227 : i32 to index
      %swap3A_267 = arith.constant 32 : index
      %swap3A_268 = tpu.vector_load %arg7[%swap3A_266, %swap3A_267] {strides = array<i32>} : memref<32x128xf32, #tpu.memory_space<vmem>>, vector<1x16xf32>,
      %swap3A_269 = vector.shape_cast %swap3A_268 : vector<1x16xf32> to vector<16xf32>
      %swap3A_270 = vector.shape_cast %scan3A_254#2 : vector<16xf32> to vector<1x16xf32>
      tpu.vector_store %arg7[%swap3A_266, %swap3A_267], %swap3A_270 {strides = array<i32>} : memref<32x128xf32, #tpu.memory_space<vmem>>, vector<1x16xf32>,
      %swap3A_271 = arith.index_cast %add3A_227 : i32 to index
      %swap3A_272 = arith.constant 48 : index
      %swap3A_273 = tpu.vector_load %arg7[%swap3A_271, %swap3A_272] {strides = array<i32>} : memref<32x128xf32, #tpu.memory_space<vmem>>, vector<1x16xf32>,
      %swap3A_274 = vector.shape_cast %swap3A_273 : vector<1x16xf32> to vector<16xf32>
      %swap3A_275 = vector.shape_cast %scan3A_254#3 : vector<16xf32> to vector<1x16xf32>
      tpu.vector_store %arg7[%swap3A_271, %swap3A_272], %swap3A_275 {strides = array<i32>} : memref<32x128xf32, #tpu.memory_space<vmem>>, vector<1x16xf32>,
      %swap3A_276 = arith.index_cast %add3A_227 : i32 to index
      %swap3A_277 = arith.constant 64 : index
      %swap3A_278 = tpu.vector_load %arg7[%swap3A_276, %swap3A_277] {strides = array<i32>} : memref<32x128xf32, #tpu.memory_space<vmem>>, vector<1x16xf32>,
      %swap3A_279 = vector.shape_cast %swap3A_278 : vector<1x16xf32> to vector<16xf32>
      %swap3A_280 = vector.shape_cast %scan3A_254#4 : vector<16xf32> to vector<1x16xf32>
      tpu.vector_store %arg7[%swap3A_276, %swap3A_277], %swap3A_280 {strides = array<i32>} : memref<32x128xf32, #tpu.memory_space<vmem>>, vector<1x16xf32>,
      %swap3A_281 = arith.index_cast %add3A_227 : i32 to index
      %swap3A_282 = arith.constant 80 : index
      %swap3A_283 = tpu.vector_load %arg7[%swap3A_281, %swap3A_282] {strides = array<i32>} : memref<32x128xf32, #tpu.memory_space<vmem>>, vector<1x16xf32>,
      %swap3A_284 = vector.shape_cast %swap3A_283 : vector<1x16xf32> to vector<16xf32>
      %swap3A_285 = vector.shape_cast %scan3A_254#5 : vector<16xf32> to vector<1x16xf32>
      tpu.vector_store %arg7[%swap3A_281, %swap3A_282], %swap3A_285 {strides = array<i32>} : memref<32x128xf32, #tpu.memory_space<vmem>>, vector<1x16xf32>,
      %swap3A_286 = arith.index_cast %add3A_227 : i32 to index
      %swap3A_287 = arith.constant 96 : index
      %swap3A_288 = tpu.vector_load %arg7[%swap3A_286, %swap3A_287] {strides = array<i32>} : memref<32x128xf32, #tpu.memory_space<vmem>>, vector<1x16xf32>,
      %swap3A_289 = vector.shape_cast %swap3A_288 : vector<1x16xf32> to vector<16xf32>
      %swap3A_290 = vector.shape_cast %scan3A_254#6 : vector<16xf32> to vector<1x16xf32>
      tpu.vector_store %arg7[%swap3A_286, %swap3A_287], %swap3A_290 {strides = array<i32>} : memref<32x128xf32, #tpu.memory_space<vmem>>, vector<1x16xf32>,
      %swap3A_291 = arith.index_cast %add3A_227 : i32 to index
      %swap3A_292 = arith.constant 112 : index
      %swap3A_293 = tpu.vector_load %arg7[%swap3A_291, %swap3A_292] {strides = array<i32>} : memref<32x128xf32, #tpu.memory_space<vmem>>, vector<1x16xf32>,
      %swap3A_294 = vector.shape_cast %swap3A_293 : vector<1x16xf32> to vector<16xf32>
      %swap3A_295 = vector.shape_cast %scan3A_254#7 : vector<16xf32> to vector<1x16xf32>
      tpu.vector_store %arg7[%swap3A_291, %swap3A_292], %swap3A_295 {strides = array<i32>} : memref<32x128xf32, #tpu.memory_space<vmem>>, vector<1x16xf32>,
      %mul3A_296 = arith.constant 4 : i32
      %mul3A_297 = arith.muli %mul3A_296, %scan3A_83 : i32
      %add3A_298 = arith.constant 3 : i32
      %add3A_299 = arith.addi %mul3A_297, %add3A_298 : i32
      %add3A_300 = arith.constant 3 : i32
      %add3A_301 = arith.addi %add3A_299, %add3A_300 : i32
      %lt3A_302 = arith.constant 32 : i32
      %lt3A_303 = arith.cmpi slt, %add3A_301, %lt3A_302 : i32
      %convert_element_type3A_304 = arith.extui %lt3A_303 : i1 to i32
      %cond3A_305 = arith.constant 0 : i32
      %cond3A_306 = arith.cmpi ne, %convert_element_type3A_304, %cond3A_305 : i32
      scf.if %cond3A_306 {
        %mul3A_369 = arith.constant 2 : i32
        %mul3A_370 = arith.muli %mul3A_369, %add3A_301 : i32
        %dma_start3A_371 = arith.constant 2 : i32
        %dma_start3A_372 = arith.constant 0 : i32
        %dma_start3A_373 = arith.constant 0 : i32
        %dma_start3A_374 = tpu.memref_slice %arg6[%dma_start3A_371, %dma_start3A_372, %dma_start3A_373] : memref<4x200x128xf32, #tpu.memory_space<vmem>> -> memref<1x100x128xf32, #tpu.memory_space<vmem>>
        %dma_start3A_375 = tpu.memref_squeeze %dma_start3A_374 : memref<1x100x128xf32, #tpu.memory_space<vmem>> -> memref<100x128xf32, #tpu.memory_space<vmem>>
        %dma_start3A_376 = arith.constant 0 : i32
        %dma_start3A_377 = tpu.memref_slice %arg5[%mul3A_370, %dma_start3A_376] : memref<64x100xi32, #tpu.memory_space<vmem>> -> memref<1x100xi32, #tpu.memory_space<vmem>>
        %dma_start3A_378 = tpu.memref_squeeze %dma_start3A_377 : memref<1x100xi32, #tpu.memory_space<vmem>> -> memref<100xi32, #tpu.memory_space<vmem>>
        %dma_start3A_379 = arith.constant 0 : i32
        %dma_start3A_380 = arith.constant 0 : i32
        %dma_start3A_381 = tpu.memref_slice %arg3[%dma_start3A_379, %dma_start3A_380] : memref<100000x128xf32, #tpu.memory_space<hbm>> -> memref<100000x128xf32, #tpu.memory_space<hbm>>
        tpu.enqueue_indirect_dma source(%dma_start3A_381 : memref<100000x128xf32, #tpu.memory_space<hbm>>) target(%dma_start3A_375 : memref<100x128xf32, #tpu.memory_space<vmem>>) offsets(%dma_start3A_378 : memref<100xi32, #tpu.memory_space<vmem>>) semaphore(%arg10 : memref<!tpu.dma_semaphore, #tpu.memory_space<semaphore_mem>>)
        %mul3A_382 = arith.constant 2 : i32
        %mul3A_383 = arith.muli %mul3A_382, %add3A_301 : i32
        %add3A_384 = arith.constant 1 : i32
        %add3A_385 = arith.addi %mul3A_383, %add3A_384 : i32
        %dma_start3A_386 = arith.constant 2 : i32
        %dma_start3A_387 = arith.constant 100 : i32
        %dma_start3A_388 = arith.constant 0 : i32
        %dma_start3A_389 = tpu.memref_slice %arg6[%dma_start3A_386, %dma_start3A_387, %dma_start3A_388] : memref<4x200x128xf32, #tpu.memory_space<vmem>> -> memref<1x100x128xf32, #tpu.memory_space<vmem>>
        %dma_start3A_390 = tpu.memref_squeeze %dma_start3A_389 : memref<1x100x128xf32, #tpu.memory_space<vmem>> -> memref<100x128xf32, #tpu.memory_space<vmem>>
        %dma_start3A_391 = arith.constant 0 : i32
        %dma_start3A_392 = tpu.memref_slice %arg5[%add3A_385, %dma_start3A_391] : memref<64x100xi32, #tpu.memory_space<vmem>> -> memref<1x100xi32, #tpu.memory_space<vmem>>
        %dma_start3A_393 = tpu.memref_squeeze %dma_start3A_392 : memref<1x100xi32, #tpu.memory_space<vmem>> -> memref<100xi32, #tpu.memory_space<vmem>>
        %dma_start3A_394 = arith.constant 0 : i32
        %dma_start3A_395 = arith.constant 0 : i32
        %dma_start3A_396 = tpu.memref_slice %arg3[%dma_start3A_394, %dma_start3A_395] : memref<100000x128xf32, #tpu.memory_space<hbm>> -> memref<100000x128xf32, #tpu.memory_space<hbm>>
        tpu.enqueue_indirect_dma source(%dma_start3A_396 : memref<100000x128xf32, #tpu.memory_space<hbm>>) target(%dma_start3A_390 : memref<100x128xf32, #tpu.memory_space<vmem>>) offsets(%dma_start3A_393 : memref<100xi32, #tpu.memory_space<vmem>>) semaphore(%arg10 : memref<!tpu.dma_semaphore, #tpu.memory_space<semaphore_mem>>)
      } else {
      }
      %dma_wait3A_307 = arith.constant 3 : i32
      %dma_wait3A_308 = arith.constant 0 : i32
      %dma_wait3A_309 = arith.constant 0 : i32
      %dma_wait3A_310 = tpu.memref_slice %arg6[%dma_wait3A_307, %dma_wait3A_308, %dma_wait3A_309] : memref<4x200x128xf32, #tpu.memory_space<vmem>> -> memref<1x200x128xf32, #tpu.memory_space<vmem>>
      %dma_wait3A_311 = tpu.memref_squeeze %dma_wait3A_310 : memref<1x200x128xf32, #tpu.memory_space<vmem>> -> memref<200x128xf32, #tpu.memory_space<vmem>>
      %dma_wait3A_312 = arith.constant 0 : i32
      %dma_wait3A_313 = arith.constant 0 : i32
      %dma_wait3A_314 = tpu.memref_slice %arg3[%dma_wait3A_312, %dma_wait3A_313] : memref<100000x128xf32, #tpu.memory_space<hbm>> -> memref<200x128xf32, #tpu.memory_space<hbm>>
      %dma_wait3A_315 = arith.constant 0 : i32
      %dma_wait3A_316 = arith.constant 0 : i32
      %dma_wait3A_317 = tpu.memref_slice %arg6[%dma_wait3A_307, %dma_wait3A_315, %dma_wait3A_316] : memref<4x200x128xf32, #tpu.memory_space<vmem>> -> memref<1x200x128xf32, #tpu.memory_space<vmem>>
      %dma_wait3A_318 = tpu.memref_squeeze %dma_wait3A_317 : memref<1x200x128xf32, #tpu.memory_space<vmem>> -> memref<200x128xf32, #tpu.memory_space<vmem>>
      %dma_wait3A_319 = arith.constant 0 : i32
      %dma_wait3A_320 = arith.constant 0 : i32
      %dma_wait3A_321 = tpu.memref_slice %arg3[%dma_wait3A_319, %dma_wait3A_320] : memref<100000x128xf32, #tpu.memory_space<hbm>> -> memref<200x128xf32, #tpu.memory_space<hbm>>
      tpu.wait_dma2 semaphore(%arg11 : memref<!tpu.dma_semaphore, #tpu.memory_space<semaphore_mem>>) src(%dma_wait3A_321 : memref<200x128xf32, #tpu.memory_space<hbm>>) dst(%dma_wait3A_318 : memref<200x128xf32, #tpu.memory_space<vmem>>)
      %scan3A_322 = arith.constant 0 : i32
      %scan3A_323 = arith.constant 200 : i32
      %scan3A_324 = arith.addi %scan3A_322, %scan3A_323 : i32
      %scan3A_325 = arith.constant 2 : i32
      %scan3A_326:8 = scf.for %scan3A_369 = %scan3A_322 to %scan3A_324 step %scan3A_325 iter_args(%scan3A_370 = %broadcast_in_dim3A_76, %scan3A_371 = %broadcast_in_dim3A_76, %scan3A_372 = %broadcast_in_dim3A_76, %scan3A_373 = %broadcast_in_dim3A_76, %scan3A_374 = %broadcast_in_dim3A_76, %scan3A_375 = %broadcast_in_dim3A_76, %scan3A_376 = %broadcast_in_dim3A_76, %scan3A_377 = %broadcast_in_dim3A_76) -> (vector<16xf32>, vector<16xf32>, vector<16xf32>, vector<16xf32>, vector<16xf32>, vector<16xf32>, vector<16xf32>, vector<16xf32>)  : i32 {
        %get3A = arith.constant 3 : i32
        %get3A_378 = arith.index_cast %get3A : i32 to index
        %get3A_379 = arith.index_cast %scan3A_369 : i32 to index
        %get3A_380 = arith.constant 0 : index
        %get3A_381 = tpu.vector_load %arg6[%get3A_378, %get3A_379, %get3A_380] {strides = array<i32>} : memref<4x200x128xf32, #tpu.memory_space<vmem>>, vector<1x1x16xf32>,
        %get3A_382 = vector.shape_cast %get3A_381 : vector<1x1x16xf32> to vector<16xf32>
        %add3A_383 = arith.addf %scan3A_370, %get3A_382 : vector<16xf32>
        %get3A_384 = arith.constant 3 : i32
        %get3A_385 = arith.index_cast %get3A_384 : i32 to index
        %get3A_386 = arith.index_cast %scan3A_369 : i32 to index
        %get3A_387 = arith.constant 16 : index
        %get3A_388 = tpu.vector_load %arg6[%get3A_385, %get3A_386, %get3A_387] {strides = array<i32>} : memref<4x200x128xf32, #tpu.memory_space<vmem>>, vector<1x1x16xf32>,
        %get3A_389 = vector.shape_cast %get3A_388 : vector<1x1x16xf32> to vector<16xf32>
        %add3A_390 = arith.addf %scan3A_371, %get3A_389 : vector<16xf32>
        %get3A_391 = arith.constant 3 : i32
        %get3A_392 = arith.index_cast %get3A_391 : i32 to index
        %get3A_393 = arith.index_cast %scan3A_369 : i32 to index
        %get3A_394 = arith.constant 32 : index
        %get3A_395 = tpu.vector_load %arg6[%get3A_392, %get3A_393, %get3A_394] {strides = array<i32>} : memref<4x200x128xf32, #tpu.memory_space<vmem>>, vector<1x1x16xf32>,
        %get3A_396 = vector.shape_cast %get3A_395 : vector<1x1x16xf32> to vector<16xf32>
        %add3A_397 = arith.addf %scan3A_372, %get3A_396 : vector<16xf32>
        %get3A_398 = arith.constant 3 : i32
        %get3A_399 = arith.index_cast %get3A_398 : i32 to index
        %get3A_400 = arith.index_cast %scan3A_369 : i32 to index
        %get3A_401 = arith.constant 48 : index
        %get3A_402 = tpu.vector_load %arg6[%get3A_399, %get3A_400, %get3A_401] {strides = array<i32>} : memref<4x200x128xf32, #tpu.memory_space<vmem>>, vector<1x1x16xf32>,
        %get3A_403 = vector.shape_cast %get3A_402 : vector<1x1x16xf32> to vector<16xf32>
        %add3A_404 = arith.addf %scan3A_373, %get3A_403 : vector<16xf32>
        %get3A_405 = arith.constant 3 : i32
        %get3A_406 = arith.index_cast %get3A_405 : i32 to index
        %get3A_407 = arith.index_cast %scan3A_369 : i32 to index
        %get3A_408 = arith.constant 64 : index
        %get3A_409 = tpu.vector_load %arg6[%get3A_406, %get3A_407, %get3A_408] {strides = array<i32>} : memref<4x200x128xf32, #tpu.memory_space<vmem>>, vector<1x1x16xf32>,
        %get3A_410 = vector.shape_cast %get3A_409 : vector<1x1x16xf32> to vector<16xf32>
        %add3A_411 = arith.addf %scan3A_374, %get3A_410 : vector<16xf32>
        %get3A_412 = arith.constant 3 : i32
        %get3A_413 = arith.index_cast %get3A_412 : i32 to index
        %get3A_414 = arith.index_cast %scan3A_369 : i32 to index
        %get3A_415 = arith.constant 80 : index
        %get3A_416 = tpu.vector_load %arg6[%get3A_413, %get3A_414, %get3A_415] {strides = array<i32>} : memref<4x200x128xf32, #tpu.memory_space<vmem>>, vector<1x1x16xf32>,
        %get3A_417 = vector.shape_cast %get3A_416 : vector<1x1x16xf32> to vector<16xf32>
        %add3A_418 = arith.addf %scan3A_375, %get3A_417 : vector<16xf32>
        %get3A_419 = arith.constant 3 : i32
        %get3A_420 = arith.index_cast %get3A_419 : i32 to index
        %get3A_421 = arith.index_cast %scan3A_369 : i32 to index
        %get3A_422 = arith.constant 96 : index
        %get3A_423 = tpu.vector_load %arg6[%get3A_420, %get3A_421, %get3A_422] {strides = array<i32>} : memref<4x200x128xf32, #tpu.memory_space<vmem>>, vector<1x1x16xf32>,
        %get3A_424 = vector.shape_cast %get3A_423 : vector<1x1x16xf32> to vector<16xf32>
        %add3A_425 = arith.addf %scan3A_376, %get3A_424 : vector<16xf32>
        %get3A_426 = arith.constant 3 : i32
        %get3A_427 = arith.index_cast %get3A_426 : i32 to index
        %get3A_428 = arith.index_cast %scan3A_369 : i32 to index
        %get3A_429 = arith.constant 112 : index
        %get3A_430 = tpu.vector_load %arg6[%get3A_427, %get3A_428, %get3A_429] {strides = array<i32>} : memref<4x200x128xf32, #tpu.memory_space<vmem>>, vector<1x1x16xf32>,
        %get3A_431 = vector.shape_cast %get3A_430 : vector<1x1x16xf32> to vector<16xf32>
        %add3A_432 = arith.addf %scan3A_377, %get3A_431 : vector<16xf32>
        %scan3A_433 = arith.constant 1 : i32
        %scan3A_434 = arith.addi %scan3A_369, %scan3A_433 : i32
        %get3A_435 = arith.constant 3 : i32
        %get3A_436 = arith.index_cast %get3A_435 : i32 to index
        %get3A_437 = arith.index_cast %scan3A_434 : i32 to index
        %get3A_438 = arith.constant 0 : index
        %get3A_439 = tpu.vector_load %arg6[%get3A_436, %get3A_437, %get3A_438] {strides = array<i32>} : memref<4x200x128xf32, #tpu.memory_space<vmem>>, vector<1x1x16xf32>,
        %get3A_440 = vector.shape_cast %get3A_439 : vector<1x1x16xf32> to vector<16xf32>
        %add3A_441 = arith.addf %add3A_383, %get3A_440 : vector<16xf32>
        %get3A_442 = arith.constant 3 : i32
        %get3A_443 = arith.index_cast %get3A_442 : i32 to index
        %get3A_444 = arith.index_cast %scan3A_434 : i32 to index
        %get3A_445 = arith.constant 16 : index
        %get3A_446 = tpu.vector_load %arg6[%get3A_443, %get3A_444, %get3A_445] {strides = array<i32>} : memref<4x200x128xf32, #tpu.memory_space<vmem>>, vector<1x1x16xf32>,
        %get3A_447 = vector.shape_cast %get3A_446 : vector<1x1x16xf32> to vector<16xf32>
        %add3A_448 = arith.addf %add3A_390, %get3A_447 : vector<16xf32>
        %get3A_449 = arith.constant 3 : i32
        %get3A_450 = arith.index_cast %get3A_449 : i32 to index
        %get3A_451 = arith.index_cast %scan3A_434 : i32 to index
        %get3A_452 = arith.constant 32 : index
        %get3A_453 = tpu.vector_load %arg6[%get3A_450, %get3A_451, %get3A_452] {strides = array<i32>} : memref<4x200x128xf32, #tpu.memory_space<vmem>>, vector<1x1x16xf32>,
        %get3A_454 = vector.shape_cast %get3A_453 : vector<1x1x16xf32> to vector<16xf32>
        %add3A_455 = arith.addf %add3A_397, %get3A_454 : vector<16xf32>
        %get3A_456 = arith.constant 3 : i32
        %get3A_457 = arith.index_cast %get3A_456 : i32 to index
        %get3A_458 = arith.index_cast %scan3A_434 : i32 to index
        %get3A_459 = arith.constant 48 : index
        %get3A_460 = tpu.vector_load %arg6[%get3A_457, %get3A_458, %get3A_459] {strides = array<i32>} : memref<4x200x128xf32, #tpu.memory_space<vmem>>, vector<1x1x16xf32>,
        %get3A_461 = vector.shape_cast %get3A_460 : vector<1x1x16xf32> to vector<16xf32>
        %add3A_462 = arith.addf %add3A_404, %get3A_461 : vector<16xf32>
        %get3A_463 = arith.constant 3 : i32
        %get3A_464 = arith.index_cast %get3A_463 : i32 to index
        %get3A_465 = arith.index_cast %scan3A_434 : i32 to index
        %get3A_466 = arith.constant 64 : index
        %get3A_467 = tpu.vector_load %arg6[%get3A_464, %get3A_465, %get3A_466] {strides = array<i32>} : memref<4x200x128xf32, #tpu.memory_space<vmem>>, vector<1x1x16xf32>,
        %get3A_468 = vector.shape_cast %get3A_467 : vector<1x1x16xf32> to vector<16xf32>
        %add3A_469 = arith.addf %add3A_411, %get3A_468 : vector<16xf32>
        %get3A_470 = arith.constant 3 : i32
        %get3A_471 = arith.index_cast %get3A_470 : i32 to index
        %get3A_472 = arith.index_cast %scan3A_434 : i32 to index
        %get3A_473 = arith.constant 80 : index
        %get3A_474 = tpu.vector_load %arg6[%get3A_471, %get3A_472, %get3A_473] {strides = array<i32>} : memref<4x200x128xf32, #tpu.memory_space<vmem>>, vector<1x1x16xf32>,
        %get3A_475 = vector.shape_cast %get3A_474 : vector<1x1x16xf32> to vector<16xf32>
        %add3A_476 = arith.addf %add3A_418, %get3A_475 : vector<16xf32>
        %get3A_477 = arith.constant 3 : i32
        %get3A_478 = arith.index_cast %get3A_477 : i32 to index
        %get3A_479 = arith.index_cast %scan3A_434 : i32 to index
        %get3A_480 = arith.constant 96 : index
        %get3A_481 = tpu.vector_load %arg6[%get3A_478, %get3A_479, %get3A_480] {strides = array<i32>} : memref<4x200x128xf32, #tpu.memory_space<vmem>>, vector<1x1x16xf32>,
        %get3A_482 = vector.shape_cast %get3A_481 : vector<1x1x16xf32> to vector<16xf32>
        %add3A_483 = arith.addf %add3A_425, %get3A_482 : vector<16xf32>
        %get3A_484 = arith.constant 3 : i32
        %get3A_485 = arith.index_cast %get3A_484 : i32 to index
        %get3A_486 = arith.index_cast %scan3A_434 : i32 to index
        %get3A_487 = arith.constant 112 : index
        %get3A_488 = tpu.vector_load %arg6[%get3A_485, %get3A_486, %get3A_487] {strides = array<i32>} : memref<4x200x128xf32, #tpu.memory_space<vmem>>, vector<1x1x16xf32>,
        %get3A_489 = vector.shape_cast %get3A_488 : vector<1x1x16xf32> to vector<16xf32>
        %add3A_490 = arith.addf %add3A_432, %get3A_489 : vector<16xf32>
        scf.yield %add3A_441, %add3A_448, %add3A_455, %add3A_462, %add3A_469, %add3A_476, %add3A_483, %add3A_490 : vector<16xf32>, vector<16xf32>, vector<16xf32>, vector<16xf32>, vector<16xf32>, vector<16xf32>, vector<16xf32>, vector<16xf32>
      }
      %scan3A_327 = arith.constant 200 : i32
      %swap3A_328 = arith.index_cast %add3A_299 : i32 to index
      %swap3A_329 = arith.constant 0 : index
      %swap3A_330 = tpu.vector_load %arg7[%swap3A_328, %swap3A_329] {strides = array<i32>} : memref<32x128xf32, #tpu.memory_space<vmem>>, vector<1x16xf32>,
      %swap3A_331 = vector.shape_cast %swap3A_330 : vector<1x16xf32> to vector<16xf32>
      %swap3A_332 = vector.shape_cast %scan3A_326#0 : vector<16xf32> to vector<1x16xf32>
      tpu.vector_store %arg7[%swap3A_328, %swap3A_329], %swap3A_332 {strides = array<i32>} : memref<32x128xf32, #tpu.memory_space<vmem>>, vector<1x16xf32>,
      %swap3A_333 = arith.index_cast %add3A_299 : i32 to index
      %swap3A_334 = arith.constant 16 : index
      %swap3A_335 = tpu.vector_load %arg7[%swap3A_333, %swap3A_334] {strides = array<i32>} : memref<32x128xf32, #tpu.memory_space<vmem>>, vector<1x16xf32>,
      %swap3A_336 = vector.shape_cast %swap3A_335 : vector<1x16xf32> to vector<16xf32>
      %swap3A_337 = vector.shape_cast %scan3A_326#1 : vector<16xf32> to vector<1x16xf32>
      tpu.vector_store %arg7[%swap3A_333, %swap3A_334], %swap3A_337 {strides = array<i32>} : memref<32x128xf32, #tpu.memory_space<vmem>>, vector<1x16xf32>,
      %swap3A_338 = arith.index_cast %add3A_299 : i32 to index
      %swap3A_339 = arith.constant 32 : index
      %swap3A_340 = tpu.vector_load %arg7[%swap3A_338, %swap3A_339] {strides = array<i32>} : memref<32x128xf32, #tpu.memory_space<vmem>>, vector<1x16xf32>,
      %swap3A_341 = vector.shape_cast %swap3A_340 : vector<1x16xf32> to vector<16xf32>
      %swap3A_342 = vector.shape_cast %scan3A_326#2 : vector<16xf32> to vector<1x16xf32>
      tpu.vector_store %arg7[%swap3A_338, %swap3A_339], %swap3A_342 {strides = array<i32>} : memref<32x128xf32, #tpu.memory_space<vmem>>, vector<1x16xf32>,
      %swap3A_343 = arith.index_cast %add3A_299 : i32 to index
      %swap3A_344 = arith.constant 48 : index
      %swap3A_345 = tpu.vector_load %arg7[%swap3A_343, %swap3A_344] {strides = array<i32>} : memref<32x128xf32, #tpu.memory_space<vmem>>, vector<1x16xf32>,
      %swap3A_346 = vector.shape_cast %swap3A_345 : vector<1x16xf32> to vector<16xf32>
      %swap3A_347 = vector.shape_cast %scan3A_326#3 : vector<16xf32> to vector<1x16xf32>
      tpu.vector_store %arg7[%swap3A_343, %swap3A_344], %swap3A_347 {strides = array<i32>} : memref<32x128xf32, #tpu.memory_space<vmem>>, vector<1x16xf32>,
      %swap3A_348 = arith.index_cast %add3A_299 : i32 to index
      %swap3A_349 = arith.constant 64 : index
      %swap3A_350 = tpu.vector_load %arg7[%swap3A_348, %swap3A_349] {strides = array<i32>} : memref<32x128xf32, #tpu.memory_space<vmem>>, vector<1x16xf32>,
      %swap3A_351 = vector.shape_cast %swap3A_350 : vector<1x16xf32> to vector<16xf32>
      %swap3A_352 = vector.shape_cast %scan3A_326#4 : vector<16xf32> to vector<1x16xf32>
      tpu.vector_store %arg7[%swap3A_348, %swap3A_349], %swap3A_352 {strides = array<i32>} : memref<32x128xf32, #tpu.memory_space<vmem>>, vector<1x16xf32>,
      %swap3A_353 = arith.index_cast %add3A_299 : i32 to index
      %swap3A_354 = arith.constant 80 : index
      %swap3A_355 = tpu.vector_load %arg7[%swap3A_353, %swap3A_354] {strides = array<i32>} : memref<32x128xf32, #tpu.memory_space<vmem>>, vector<1x16xf32>,
      %swap3A_356 = vector.shape_cast %swap3A_355 : vector<1x16xf32> to vector<16xf32>
      %swap3A_357 = vector.shape_cast %scan3A_326#5 : vector<16xf32> to vector<1x16xf32>
      tpu.vector_store %arg7[%swap3A_353, %swap3A_354], %swap3A_357 {strides = array<i32>} : memref<32x128xf32, #tpu.memory_space<vmem>>, vector<1x16xf32>,
      %swap3A_358 = arith.index_cast %add3A_299 : i32 to index
      %swap3A_359 = arith.constant 96 : index
      %swap3A_360 = tpu.vector_load %arg7[%swap3A_358, %swap3A_359] {strides = array<i32>} : memref<32x128xf32, #tpu.memory_space<vmem>>, vector<1x16xf32>,
      %swap3A_361 = vector.shape_cast %swap3A_360 : vector<1x16xf32> to vector<16xf32>
      %swap3A_362 = vector.shape_cast %scan3A_326#6 : vector<16xf32> to vector<1x16xf32>
      tpu.vector_store %arg7[%swap3A_358, %swap3A_359], %swap3A_362 {strides = array<i32>} : memref<32x128xf32, #tpu.memory_space<vmem>>, vector<1x16xf32>,
      %swap3A_363 = arith.index_cast %add3A_299 : i32 to index
      %swap3A_364 = arith.constant 112 : index
      %swap3A_365 = tpu.vector_load %arg7[%swap3A_363, %swap3A_364] {strides = array<i32>} : memref<32x128xf32, #tpu.memory_space<vmem>>, vector<1x16xf32>,
      %swap3A_366 = vector.shape_cast %swap3A_365 : vector<1x16xf32> to vector<16xf32>
      %swap3A_367 = vector.shape_cast %scan3A_326#7 : vector<16xf32> to vector<1x16xf32>
      tpu.vector_store %arg7[%swap3A_363, %swap3A_364], %swap3A_367 {strides = array<i32>} : memref<32x128xf32, #tpu.memory_space<vmem>>, vector<1x16xf32>,
      %scan3A_368 = arith.constant 0 : i32
      scf.yield %scan3A_368 : i32
    }
    %scan3A_82 = arith.constant 8 : i32
    "tpu.region"() ({
      %run_scoped3A = tpu.sem_alloc : memref<!tpu.dma_semaphore, #tpu.memory_space<semaphore_mem>>
      %dma_start3A_83 = arith.constant 0 : i32
      %dma_start3A_84 = tpu.memref_slice %arg4[%mul3A_2, %dma_start3A_83] : memref<1024x128xf32, #tpu.memory_space<hbm>> -> memref<32x128xf32, #tpu.memory_space<hbm>>
      %dma_start3A_85 = arith.constant 0 : i32
      %dma_start3A_86 = tpu.memref_slice %arg4[%mul3A_2, %dma_start3A_85] : memref<1024x128xf32, #tpu.memory_space<hbm>> -> memref<32x128xf32, #tpu.memory_space<hbm>>
      tpu.enqueue_dma source(%arg7 : memref<32x128xf32, #tpu.memory_space<vmem>>) target(%dma_start3A_86 : memref<32x128xf32, #tpu.memory_space<hbm>>) target_semaphore(%run_scoped3A : memref<!tpu.dma_semaphore, #tpu.memory_space<semaphore_mem>>)
      %dma_wait3A = arith.constant 0 : i32
      %dma_wait3A_87 = tpu.memref_slice %arg4[%mul3A_2, %dma_wait3A] : memref<1024x128xf32, #tpu.memory_space<hbm>> -> memref<32x128xf32, #tpu.memory_space<hbm>>
      %dma_wait3A_88 = arith.constant 0 : i32
      %dma_wait3A_89 = tpu.memref_slice %arg4[%mul3A_2, %dma_wait3A_88] : memref<1024x128xf32, #tpu.memory_space<hbm>> -> memref<32x128xf32, #tpu.memory_space<hbm>>
      tpu.wait_dma2 semaphore(%run_scoped3A : memref<!tpu.dma_semaphore, #tpu.memory_space<semaphore_mem>>) src(%arg7 : memref<32x128xf32, #tpu.memory_space<vmem>>) dst(%dma_wait3A_89 : memref<32x128xf32, #tpu.memory_space<hbm>>)
      tpu.yield
    }) : () -> ()
    return
  }
}

module attributes {stable_mosaic.version = 14 : i64} {
  func.func @_ffn_body(%arg0: i32, %arg1: memref<1024x128xf32, #tpu.memory_space<vmem>>, %arg2: memref<128x128xf32, #tpu.memory_space<vmem>>, %arg3: memref<128xf32, #tpu.memory_space<vmem>>, %arg4: memref<50x128xf32, #tpu.memory_space<vmem>>, %arg5: memref<50xf32, #tpu.memory_space<vmem>>, %arg6: memref<1024x128xf32, #tpu.memory_space<vmem>>, %arg7: memref<1024x50xf32, #tpu.memory_space<vmem>>) attributes {dimension_semantics = [#tpu.dimension_semantics<arbitrary>], iteration_bounds = array<i64: 1>, scalar_prefetch = 0 : i64, scratch_operands = 0 : i64, tpu.core_type = #tpu.core_type<tc>, window_params = [{transform_indices = @transform_0, window_bounds = array<i64: 1024, 128>}, {pipeline_mode = #tpu.pipeline_mode<synchronous>, transform_indices = @transform_1, window_bounds = array<i64: 128, 128>}, {pipeline_mode = #tpu.pipeline_mode<synchronous>, transform_indices = @transform_2, window_bounds = array<i64: 128>}, {pipeline_mode = #tpu.pipeline_mode<synchronous>, transform_indices = @transform_3, window_bounds = array<i64: 50, 128>}, {pipeline_mode = #tpu.pipeline_mode<synchronous>, transform_indices = @transform_4, window_bounds = array<i64: 50>}, {transform_indices = @transform_5, window_bounds = array<i64: 1024, 128>}, {transform_indices = @transform_6, window_bounds = array<i64: 1024, 50>}]} {
    %get3A = arith.constant 0 : index
    %get3A_0 = arith.constant 0 : index
    %get3A_1 = vector.load %arg1[%get3A, %get3A_0] : memref<1024x128xf32, #tpu.memory_space<vmem>>, vector<1024x128xf32>
    %get3A_2 = arith.constant 0 : index
    %get3A_3 = arith.constant 0 : index
    %get3A_4 = vector.load %arg2[%get3A_2, %get3A_3] : memref<128x128xf32, #tpu.memory_space<vmem>>, vector<128x128xf32>
    %dot_general3A = arith.constant dense<0.000000e+00> : vector<1024x128xf32>
    %dot_general3A_5 = tpu.matmul %get3A_1, %get3A_4, %dot_general3A {dimension_numbers = #tpu.dot_dimension_numbers<[1], [1], [0], [0], [0, 0, 1, 0], [], []>, transpose_lhs_hint = false} : vector<1024x128xf32>, vector<128x128xf32>, vector<1024x128xf32> -> vector<1024x128xf32>
    %get3A_6 = arith.constant 0 : index
    %get3A_7 = vector.load %arg3[%get3A_6] : memref<128xf32, #tpu.memory_space<vmem>>, vector<128xf32>
    %broadcast_in_dim3A = vector.shape_cast %get3A_7 : vector<128xf32> to vector<1x128xf32>
    %add3A = vector.broadcast %broadcast_in_dim3A : vector<1x128xf32> to vector<1024x128xf32>
    %add3A_8 = arith.addf %dot_general3A_5, %add3A : vector<1024x128xf32>
    %swap3A = arith.constant 0 : index
    %swap3A_9 = arith.constant 0 : index
    %swap3A_10 = vector.load %arg6[%swap3A, %swap3A_9] : memref<1024x128xf32, #tpu.memory_space<vmem>>, vector<1024x128xf32>
    tpu.vector_store %arg6[%swap3A, %swap3A_9], %add3A_8 {strides = array<i32>} : memref<1024x128xf32, #tpu.memory_space<vmem>>, vector<1024x128xf32>,
    %get3A_11 = arith.constant 0 : index
    %get3A_12 = arith.constant 0 : index
    %get3A_13 = vector.load %arg4[%get3A_11, %get3A_12] : memref<50x128xf32, #tpu.memory_space<vmem>>, vector<50x128xf32>
    %dot_general3A_14 = arith.constant dense<0.000000e+00> : vector<1024x50xf32>
    %dot_general3A_15 = tpu.matmul %get3A_1, %get3A_13, %dot_general3A_14 {dimension_numbers = #tpu.dot_dimension_numbers<[1], [1], [0], [0], [0, 0, 1, 0], [], []>, transpose_lhs_hint = false} : vector<1024x128xf32>, vector<50x128xf32>, vector<1024x50xf32> -> vector<1024x50xf32>
    %get3A_16 = arith.constant 0 : index
    %get3A_17 = vector.load %arg5[%get3A_16] : memref<50xf32, #tpu.memory_space<vmem>>, vector<50xf32>
    %broadcast_in_dim3A_18 = vector.shape_cast %get3A_17 : vector<50xf32> to vector<1x50xf32>
    %add3A_19 = vector.broadcast %broadcast_in_dim3A_18 : vector<1x50xf32> to vector<1024x50xf32>
    %add3A_20 = arith.addf %dot_general3A_15, %add3A_19 : vector<1024x50xf32>
    %reduce_max3A = arith.constant dense<0xFF800000> : vector<1024xf32>
    %reduce_max3A_21 = vector.multi_reduction <maximumf>, %add3A_20, %reduce_max3A [1] : vector<1024x50xf32> to vector<1024xf32>
    %broadcast_in_dim3A_22 = vector.shape_cast %reduce_max3A_21 : vector<1024xf32> to vector<1024x1xf32>
    %sub3A = vector.broadcast %broadcast_in_dim3A_22 : vector<1024x1xf32> to vector<1024x50xf32>
    %sub3A_23 = arith.subf %add3A_20, %sub3A : vector<1024x50xf32>
    %exp3A = math.exp %sub3A_23 : vector<1024x50xf32>
    %reduce_sum3A = arith.constant dense<0.000000e+00> : vector<1024xf32>
    %reduce_sum3A_24 = vector.multi_reduction <add>, %exp3A, %reduce_sum3A [1] : vector<1024x50xf32> to vector<1024xf32>
    %broadcast_in_dim3A_25 = vector.shape_cast %reduce_sum3A_24 : vector<1024xf32> to vector<1024x1xf32>
    %sub3A_26 = vector.broadcast %broadcast_in_dim3A_22 : vector<1024x1xf32> to vector<1024x50xf32>
    %sub3A_27 = arith.subf %add3A_20, %sub3A_26 : vector<1024x50xf32>
    %log3A = math.log %broadcast_in_dim3A_25 : vector<1024x1xf32>
    %sub3A_28 = vector.broadcast %log3A : vector<1024x1xf32> to vector<1024x50xf32>
    %sub3A_29 = arith.subf %sub3A_27, %sub3A_28 : vector<1024x50xf32>
    %swap3A_30 = arith.constant 0 : index
    %swap3A_31 = arith.constant 0 : index
    %swap3A_32 = vector.load %arg7[%swap3A_30, %swap3A_31] : memref<1024x50xf32, #tpu.memory_space<vmem>>, vector<1024x50xf32>
    tpu.vector_store %arg7[%swap3A_30, %swap3A_31], %sub3A_29 {strides = array<i32>} : memref<1024x50xf32, #tpu.memory_space<vmem>>, vector<1024x50xf32>,
    return
  }
  func.func @transform_0(%arg0: i32) -> (i32, i32) {
    %c0_i32 = arith.constant 0 : i32
    %c0_i32_0 = arith.constant 0 : i32
    return %arg0, %c0_i32 : i32, i32
  }
  func.func @transform_1(%arg0: i32) -> (i32, i32) {
    %c0_i32 = arith.constant 0 : i32
    %c0_i32_0 = arith.constant 0 : i32
    %c0_i32_1 = arith.constant 0 : i32
    return %c0_i32, %c0_i32_0 : i32, i32
  }
  func.func @transform_2(%arg0: i32) -> i32 {
    %c0_i32 = arith.constant 0 : i32
    %c0_i32_0 = arith.constant 0 : i32
    return %c0_i32 : i32
  }
  func.func @transform_3(%arg0: i32) -> (i32, i32) {
    %c0_i32 = arith.constant 0 : i32
    %c0_i32_0 = arith.constant 0 : i32
    %c0_i32_1 = arith.constant 0 : i32
    return %c0_i32, %c0_i32_0 : i32, i32
  }
  func.func @transform_4(%arg0: i32) -> i32 {
    %c0_i32 = arith.constant 0 : i32
    %c0_i32_0 = arith.constant 0 : i32
    return %c0_i32 : i32
  }
  func.func @transform_5(%arg0: i32) -> (i32, i32) {
    %c0_i32 = arith.constant 0 : i32
    %c0_i32_0 = arith.constant 0 : i32
    return %arg0, %c0_i32 : i32, i32
  }
  func.func @transform_6(%arg0: i32) -> (i32, i32) {
    %c0_i32 = arith.constant 0 : i32
    %c0_i32_0 = arith.constant 0 : i32
    return %arg0, %c0_i32 : i32, i32
  }
}

</mosaic_0001>

<sc_bundles>
// kernel: kernel.4.cloned.1.call-start
scs
__scs_entry_jumppad:
0x0: {  	(pc) =	sbr.rel $0x88, $3  }
0x1: {  	(tag) =	ssettag $0x0;
	lr =	simm.s32 $0x1  }
0x2: {  	[smem:$0x3F9B] =	sst lr;
	_ =	strace $0xD0000000  }
0x3: {  	_ = 	snop  }
0x4: {  	_ = 	snop  }
0x5: {  	_ = 	snop  }
0x6: {  	_ = 	snop  }
0x7: {  	_ = 	snop  }
__scs_overlays_trampoline_lowered:
0x8: {  	[smem:$0x3FAA] =	sst s0  }
0x9: {  	[smem:$0x3FAB] =	sst s1  }
0xa: {  	[smem:$0x3FAC] =	sst s2  }
0xb: {  	[smem:$0x3FAD] =	sst s3  }
0xc: {  	[smem:$0x3FAE] =	sst s4  }
0xd: {  	[smem:$0x3FAF] =	sst s5  }
0xe: {  	[smem:$0x3FB0] =	sst s6  }
0xf: {  	[smem:$0x3FB1] =	sst s7  }
0x10: {  	[smem:$0x3FB2] =	sst s8  }
0x11: {  	[smem:$0x3FB3] =	sst s9;
	s0 =	simm.s32 @!p0 $0x0  }
0x12: {  	s1 =	sld [smem:$0x3F99];
	s0 =	simm.s32 @p0 $0x1  }
0x13: {  	[smem:$0x3FB4] =	sst s0;
	s0 =	simm.s32 @!p1 $0x0  }
0x14: {  	s2 =	sld [smem:$0x3F98];
	s0 =	simm.s32 @p1 $0x1  }
0x15: {  	[smem:$0x3FB5] =	sst s0;
	s0 =	simm.s32 @!p2 $0x0  }
0x16: {  	s3 =	sld [smem:$0x3FDB];
	s0 =	simm.s32 @p2 $0x1  }
0x17: {  	s4 =	simm.s32 $0x1BF5;
	[smem:$0x3FB7] =	sst s0  }
0x18: {  	s0 =	sld [smem:$0x3F9A];
	_ =	swait.ge [sflag:s4], $0x0  }
0x19: {  	s7 =	sld [smem:$0x3F9B]  }
0x1a: {  	s8 =	sadd.s32 $0xFFFFE003, lr  }
0x1b: {  	s9 =	sadd.s32 $0xFFFFFEF7, lr;
	s5 =	simm.s32 $0xFFFFFFFF;
	p2 =	slt.u32 s8, $0xFFFFF086  }
0x1c: {  	p1 =	slt.u32 s9, $0xF7A;
	s5 =	simm.s32 @!p2 $0x0  }
0x1d: {  	s5 =	simm.s32 @p1 $0x1;
	p0 =	seq.s32 s7, s2  }
0x1e: {  	s7 =	smul.u32 @!p0 $0xF7A, s2;
	p2 =	seq.s32 @!p0 s5, $0x0  }
0x1f: {  	s9 =	smul.u32 $0xF7A, s1;
	s8 =	simm.s32 @!p0 $0x1BF5;
	p2 =	por !p2, p0  }
0x20: {  	[sflag:s8] =	ssyncset.s32 @!p0 $0xFFFFF086;
	s6 =	sadd.s32 @!p0 s3, s7;
	s7 =	simm.s32 @!p0 $0x108  }
0x21: {  	s3 =	sadd.s32 s3, s9;
	s6 =	sadd.s32 @!p0 $0x88, s6;
	s7 =	simm.s32 @p2 $0x1082  }
0x22: {  	[simem:s7], [sflag:s8] =	dma.local @!p0 [hbm:s6], $0xF7A  }
0x23: {  	s9 =	sor.u32 $0xD0000000, s2;
	s6 =	simm.s32 $0x108;
	_ =	swait.ge @!p0 [sflag:s8], $0x0  }
0x24: {  	s3 =	sadd.s32 $0x88, s3;
	s6 =	simm.s32 @!p1 $0x1082;
	[sflag:s4] =	ssyncset.s32 $0xFFFFF086  }
0x25: {  	[simem:s6], [sflag:s4] =	dma.local [hbm:s3], $0xF7A  }
0x26: {  	[smem:$0x3F9B] =	sst s1;
	(tag) =	ssettag s2;
	_ =	strace s9  }
0x27: {  	s1 =	sld [smem:$0x3FAB]  }
0x28: {  	s2 =	sld [smem:$0x3FAC]  }
0x29: {  	s4 =	sld [smem:$0x3FAE]  }
0x2a: {  	p0 =	seq.s32 s5, $0x0;
	s5 =	sld [smem:$0x3FAF]  }
0x2b: {  	s6 =	sld [smem:$0x3FB0]  }
0x2c: {  	s7 =	sld [smem:$0x3FB1]  }
0x2d: {  	s3 =	simm.s32 $0x108;
	s8 =	sld [smem:$0x3FB2]  }
0x2e: {  	s3 =	simm.s32 @!p0 $0x1082;
	s9 =	sld [smem:$0x3FB3]  }
0x2f: {  	lr =	sadd.s32 s0, s3;
	s0 =	sld [smem:$0x3FAA]  }
0x30: {  	s3 =	sld [smem:$0x3FAD]  }
0x31: {  	[smem:$0x3FB6] =	sst s10  }
0x32: {  	s10 =	sld [smem:$0x3FB4];
	_ =	sdelay $0x3  }
0x33: {  	p0 =	seq.s32 s10, $0x1;
	s10 =	sld [smem:$0x3FB6];
	_ =	sdelay $0x3  }
0x34: {  	[smem:$0x3FB6] =	sst s10  }
0x35: {  	s10 =	sld [smem:$0x3FB5];
	_ =	sdelay $0x3  }
0x36: {  	p1 =	seq.s32 s10, $0x1;
	s10 =	sld [smem:$0x3FB6];
	_ =	sdelay $0x3  }
0x37: {  	[smem:$0x3FB6] =	sst s10  }
0x38: {  	s10 =	sld [smem:$0x3FB7]  }
0x39: {  	_ = 	snop;
	(pc) =	sbr.ind lr, $3  }
0x3a: {  	_ = 	snop  }
0x3b: {  	_ = 	snop  }
0x3c: {  	p2 =	seq.s32 s10, $0x1;
	s10 =	sld [smem:$0x3FB6]  }
0x3d: {  	_ =	shalt  }
0x3e: {  	_ =	shalt  }
0x3f: {  	_ =	shalt  }
0x40: {  	_ =	shalt  }
0x41: {  	_ =	shalt  }
0x42: {  	_ =	shalt  }
0x43: {  	_ =	shalt  }
0x44: {  	_ =	shalt  }
0x45: {  	_ =	shalt  }
0x46: {  	_ =	shalt  }
0x47: {  	_ =	shalt  }
0x48: {  	_ =	shalt  }
0x49: {  	_ =	shalt  }
0x4a: {  	_ =	shalt  }
0x4b: {  	_ =	shalt  }
0x4c: {  	_ =	shalt  }
0x4d: {  	_ =	shalt  }
0x4e: {  	_ =	shalt  }
0x4f: {  	_ =	shalt  }
0x50: {  	_ =	shalt  }
0x51: {  	_ =	shalt  }
0x52: {  	_ =	shalt  }
0x53: {  	_ =	shalt  }
0x54: {  	_ =	shalt  }
0x55: {  	_ =	shalt  }
0x56: {  	_ =	shalt  }
0x57: {  	_ =	shalt  }
0x58: {  	_ =	shalt  }
0x59: {  	_ =	shalt  }
0x5a: {  	_ =	shalt  }
0x5b: {  	_ =	shalt  }
0x5c: {  	_ =	shalt  }
0x5d: {  	_ =	shalt  }
0x5e: {  	_ =	shalt  }
0x5f: {  	_ =	shalt  }
0x60: {  	_ =	shalt  }
0x61: {  	_ =	shalt  }
0x62: {  	_ =	shalt  }
0x63: {  	_ =	shalt  }
0x64: {  	_ =	shalt  }
0x65: {  	_ =	shalt  }
0x66: {  	_ =	shalt  }
0x67: {  	_ =	shalt  }
0x68: {  	_ =	shalt  }
0x69: {  	_ =	shalt  }
0x6a: {  	_ =	shalt  }
0x6b: {  	_ =	shalt  }
0x6c: {  	_ =	shalt  }
0x6d: {  	_ =	shalt  }
0x6e: {  	_ =	shalt  }
0x6f: {  	_ =	shalt  }
0x70: {  	_ =	shalt  }
0x71: {  	_ =	shalt  }
0x72: {  	_ =	shalt  }
0x73: {  	_ =	shalt  }
0x74: {  	_ =	shalt  }
0x75: {  	_ =	shalt  }
0x76: {  	_ =	shalt  }
0x77: {  	_ =	shalt  }
0x78: {  	_ =	shalt  }
0x79: {  	_ =	shalt  }
0x7a: {  	_ =	shalt  }
0x7b: {  	_ =	shalt  }
0x7c: {  	_ =	shalt  }
0x7d: {  	_ =	shalt  }
0x7e: {  	_ =	shalt  }
0x7f: {  	_ =	shalt  }
0x80: {  	_ =	shalt  }
0x81: {  	_ =	shalt  }
0x82: {  	_ =	shalt  }
0x83: {  	_ =	shalt  }
0x84: {  	_ =	shalt  }
0x85: {  	_ =	shalt  }
0x86: {  	_ =	shalt  }
0x87: {  	_ =	shalt  }
.Lfunc_end0:
.L_simem_size_0:
called_computation_lowered:
.L_overlay_start_0:
0x88: {  	s2 =	sld [smem:$0x3FD9]  }
0x89: {  	s3 =	sld [smem:$0x3FFE];
	_ =	sdelay $0x1  }
0x8a: {  	s1 =	srdreg.scid  }
0x8b: {  	s0 =	sand.u32 $0x1, s1  }
0x8c: {  	s14 =	sshll.u32 s0, $0xA;
	s2 =	sadd.s32 s3, s2  }
0x8d: {  	s2 =	sadd.s32 s2, s14  }
0x8e: {  	[smem:$0x3FC2] =	sst s2  }
0x8f: {  	_ = 	snop  }
0x90: {  	s2 =	sld [smem:$0x3FD0];
	_ =	sdelay $0x2  }
0x91: {  	s4 =	simm.s32 $0xA;
	s5 =	simm.s32 $0x10;
	s15 =	sld [smem:$0x3FC8]  }
0x92: {  	[smem:s5], [sflag:s4] =	dma.local [hbm:s2], $0x1  }
0x93: {  	_ =	swait.eq [sflag:s4], $0x1  }
0x94: {  	[sflag:s4] =	ssyncset.done $0x0  }
0x95: {  	[sflag:s4] =	ssyncadd.s32 $0xFFFFFFFF  }
0x96: {  	s16 =	sld [smem:$0x10];
	(tm) =	ssettm $0x1  }
0x97: {  	s17 =	sld [smem:$0x3FFB];
	_ =	sdelay $0x3  }
0x98: {  	_ =	strace s17  }
0x99: {  	s4 =	sld [smem:$0x3FFC];
	_ =	sdelay $0x3  }
0x9a: {  	_ =	strace s4  }
0x9b: {  	s4 =	sld [smem:$0x3FFD];
	_ =	sdelay $0x3  }
0x9c: {  	_ =	strace s4  }
0x9d: {  	_ =	strace $0x8FFFFFFF  }
0x9e: {  	s18 =	sld [smem:$0x3FDB];
	_ =	sdelay $0x1  }
0x9f: {  	s19 =	simm.s32 $_scs_section_size  }
0xa0: {  	s6 =	simm.s32 $_size__tile_overlayer_lowered;
	s7 =	simm.s32 $_tile_overlayer_lowered  }
0xa1: {  	s22 =	simm.s32 $0x1BFF;
	s21 =	sshll.u32 s7, $0x1;
	s4 =	sadd.s32 s19, s18  }
0xa2: {  	s8 =	simm.s32 $0x0;
	s20 =	sshll.u32 s6, $0x1;
	s6 =	sadd.s32 s21, s4  }
0xa3: {  	[timem:s8], [sflag:s22] =	dma.local [hbm:s6], s20  }
0xa4: {  	_ =	swait.ge [sflag:s22], s20  }
0xa5: {  	s5 =	ssub.s32 $0x0, s20;
	[sflag:s22] =	ssyncset.done $0x0  }
0xa6: {  	[sflag:s22] =	ssyncadd.s32 s5;
	_ =	sdelay $0x1  }
0xa7: {  	s23 =	simm.s32 $0x1B8B  }
0xa8: {  	_ =	swait.ge [sflag:s23], $0x1  }
0xa9: {  	[sflag:s23] =	ssyncset.done $0x0  }
0xaa: {  	s25 =	simm.s32 $0x1B8E;
	s24 =	sld [smem:$0x3FFE];
	[sflag:s23] =	ssyncadd.s32 $0xFFFFFFFF  }
0xab: {  	s26 =	simm.s32 $execute0_lowered;
	[smem:$0x3FD2] =	sst s25  }
0xac: {  	s6 =	sshll.u32 s26, $0x1;
	_ =	strace $0x80000046;
	[dreg:$0x1] =	wrdreg $0xFFFFFFFF  }
0xad: {  	s28 =	simm.s32 $_size_execute0_lowered;
	s4 =	sadd.s32 s4, s6;
	[dreg:$0x0] =	wrdreg $0x0  }
0xae: {  	s6 =	sshll.u32 s28, $0x1;
	[dreg:$0x2] =	wrdreg s4  }
0xaf: {  	[dreg:$0x3] =	wrdreg s6  }
0xb0: {  	[dreg:$0x4] =	wrdreg $0xC0  }
0xb1: {  	_ =	task [dreg:s8], $0x5FFFF  }
0xb2: {  	[dreg:$0x1] =	wrdreg $0xFFFFFFFF  }
0xb3: {  	[dreg:$0x0] =	wrdreg $0x60  }
0xb4: {  	[dreg:$0x2] =	wrdreg s24  }
0xb5: {  	[dreg:$0x3] =	wrdreg s15  }
0xb6: {  	[dreg:$0x4] =	wrdreg s16  }
0xb7: {  	[dreg:$0x5] =	wrdreg $0x9  }
0xb8: {  	_ =	task.clear_ibuf [dreg:s8], $0x6FFFF;
	_ =	strace $0x90000046  }
0xb9: {  	s29 =	simm.s32 $0x9;
	_ =	strace $0x80000048  }
0xba: {  	_ =	swait.ge [sflag:s29], $0x1  }
0xbb: {  	[sflag:s29] =	ssyncadd.s32 $0xFFFFFFFF  }
0xbc: {  	_ =	strace $0x90000048  }
0xbd: {  	_ =	sfence  }
0xbe: {  	s30 =	sld [smem:$0x0];
	_ =	sdelay $0x2  }
0xbf: {  	s31 =	sshll.u32 s1, $0xD;
	s1 =	sshrl.u32 s1, $0x2  }
0xc0: {  	s3 =	sand.u32 $0x4000, s31;
	s1 =	sadd.s32 s1, s30  }
0xc1: {  	s0 =	sor.u32 s3, s0;
	s1 =	sshll.u32 s1, $0x11  }
0xc2: {  	s0 =	sor.u32 s1, s0  }
0xc3: {  	s0 =	sadd.s32 $0x8F2B, s0  }
0xc4: {  	[sflag:s0] =	ssyncadd.remote.s32 $0x1  }
0xc5: {  	_ =	sfence.sel $0xFFFF  }
0xc6: {  	[dreg:$0x0] =	wrdreg $0xFFFFFFFF;
	(pc) =	sbr.abs _section_cstart, $3  }
0xc7: {  	[dreg:$0x1] =	wrdreg $0xFFFFFFFF  }
0xc8: {  	_ =	task.clear_ibuf [dreg:s8], $0x2FFFF;
	_ =	strace $0x9FFFFFFF  }
0xc9: {  	(tm) =	ssettm $0x7FFFFFFF  }
tec
execute0_lowered:
.L_overlay_start_1:
0x0: {  	(tag) =	ssettag $0x1  }
0x1: {  	s0 =	rddreg [dreg:$0x0]  }
0x2: {  	s2 =	rddreg [dreg:$0x1]  }
0x3: {  	s1 =	rddreg [dreg:$0x2]  }
0x4: {  	s4 =	srdreg.scid;
	s5 =	stileid.u32;
	s3 =	simm.s32 $0x0  }
0x5: {  	s8 =	simm.s32 $0x64;
	s11 =	simm.s32 $0x5200;
	s12 =	simm.s32 $0x100  }
0x6: {  	s13 =	simm.s32 $0x8400;
	s14 =	simm.s32 $0x180;
	s15 =	simm.s32 $0xB600  }
0x7: {  	s16 =	simm.s32 $0x200;
	s17 =	simm.s32 $0xE800;
	s18 =	simm.s32 $0x280  }
0x8: {  	s19 =	simm.s32 $0x11A00;
	s20 =	simm.s32 $0x14C00;
	s21 =	simm.s32 $0x17E00  }
0x9: {  	s22 =	simm.s32 $0x1;
	s23 =	simm.s32 $0x2;
	s24 =	simm.s32 $0x3  }
0xa: {  	s25 =	simm.s32 $0x4;
	s26 =	simm.s32 $0x1B000;
	s28 =	simm.s32 $0x0  }
0xb: {  	s4 =	sand.u32 $0x1, s4;
	s5 =	sshll.u32 s5, $0x1;
	[smem:$0x7FF] =	sst s3  }
0xc: {  	s5 =	sor.u32 s4, s5;
	s4 =	ssub.s32 $0x2, s4;
	_ =	strace $0x80000047  }
0xd: {  	s6 =	sshll.u32 s5, $0xA;
	s7 =	sshrl.u32 s4, $0x1;
	s5 =	sshll.u32 s5, $0x9  }
0xe: {  	s0 =	sadd.s32 s6, s0;
	s31 =	ssub.s32 s4, s7;
	s5 =	sadd.s32 s1, s5  }
0xf: {  	s7 =	simm.s32 $0x5;
	s4 =	sadd.s32 $0x1000, s0;
	s6 =	smax.u32 s31, $0x1  }
.LBB2_1:
0x10: {  	[tilespmem:s3], [sflag:$0x5] =	stream.linear.gather [hbm4b:s4+s3], $0x2000, $0x38;
	[tilespmem:$0x1C000] =	vst v63  }
0x11: {  	_ =	swait.ge [sflag:s7], $0x2000  }
0x12: {  	[sflag:s7] =	ssyncset.done $0x0  }
0x13: {  	s0 =	simm.s32 $0x2000;
	[sflag:s7] =	ssyncadd.s32 $0xFFFFE000  }
0x14: {  	[tilespmem:s0], [sflag:$0x1] =	stream.indirect.gather [hbm4b:s2+s8], $0x80, s3, s8, $0xb8;
	[tilespmem:$0x1C000] =	vst v63  }
0x15: {  	s31 =	simm.s32 $0x80  }
0x16: {  	[tilespmem:s11], [sflag:$0x1] =	stream.indirect.gather [hbm4b:s2+s8], $0x80, s31, s8, $0xb8;
	[tilespmem:$0x1C000] =	vst v63  }
0x17: {  	_ = 	snop  }
0x18: {  	[tilespmem:s13], [sflag:$0x2] =	stream.indirect.gather [hbm4b:s2+s8], $0x80, s12, s8, $0xb8;
	[tilespmem:$0x1C000] =	vst v63  }
0x19: {  	_ = 	snop  }
0x1a: {  	[tilespmem:s15], [sflag:$0x2] =	stream.indirect.gather [hbm4b:s2+s8], $0x80, s14, s8, $0xb8;
	[tilespmem:$0x1C000] =	vst v63  }
0x1b: {  	_ = 	snop  }
0x1c: {  	[tilespmem:s17], [sflag:$0x3] =	stream.indirect.gather [hbm4b:s2+s8], $0x80, s16, s8, $0xb8;
	[tilespmem:$0x1C000] =	vst v63  }
0x1d: {  	s29 =	simm.s32 $0x0  }
0x1e: {  	[tilespmem:s19], [sflag:$0x3] =	stream.indirect.gather [hbm4b:s2+s8], $0x80, s18, s8, $0xb8;
	[tilespmem:$0x1C000] =	vst v63  }
.LBB2_2:
0x1f: {  	s30 =	sshllo.u32 s29, $0x2  }
0x20: {  	s0 =	sshll.u32 s30, $0x8  }
0x21: {  	s0 =	sand.u32 $0x3FFFFF00, s0  }
0x22: {  	[tilespmem:s20], [sflag:$0x4] =	stream.indirect.gather [hbm4b:s2+s8], $0x80, s0, s8, $0xb8;
	[tilespmem:$0x1C000] =	vst v63  }
0x23: {  	s0 =	sor.u32 $0x80, s0  }
0x24: {  	[tilespmem:s21], [sflag:$0x4] =	stream.indirect.gather [hbm4b:s2+s8], $0x80, s0, s8, $0xb8;
	[tilespmem:$0x1C000] =	vst v63  }
0x25: {  	_ =	swait.ge [sflag:s22], $0x6400  }
0x26: {  	[sflag:s22] =	ssyncset.done $0x0  }
0x27: {  	s1 =	simm.s32 $0x2080;
	[sflag:s22] =	ssyncadd.s32 $0xFFFF9C00  }
0x28: {  	v5 =	vld [tilespmem:s1+$0x0]  }
0x29: {  	v6 =	vld [tilespmem:s1+$0x10]  }
0x2a: {  	v2 =	vld [tilespmem:s1+$0x20]  }
0x2b: {  	v3 =	vld [tilespmem:s1+$0x30]  }
0x2c: {  	v0 =	vld [tilespmem:s1+$0x40]  }
0x2d: {  	v7 =	vld [tilespmem:s1+$0xFFFFFF80]  }
0x2e: {  	v8 =	vld [tilespmem:s1+$0xFFFFFF90]  }
0x2f: {  	v9 =	vld [tilespmem:s1+$0xFFFFFFA0]  }
0x30: {  	v11 =	vld [tilespmem:s1+$0xFFFFFFB0]  }
0x31: {  	v1 =	vld [tilespmem:s1+$0x50]  }
0x32: {  	v12 =	vld [tilespmem:s1+$0xFFFFFFC0]  }
0x33: {  	v4 =	vimm.f32 $0.0e+00;
	v13 =	vld [tilespmem:s1+$0xFFFFFFD0]  }
0x34: {  	v10 =	vld [tilespmem:s1+$0xFFFFFFE0];
	v7 =	vadd.f32 v7, v4  }
0x35: {  	v14 =	vld [tilespmem:s1+$0xFFFFFFF0];
	v15 =	vadd.f32 v8, v4;
	v17 =	vadd.f32 v9, v4  }
0x36: {  	v16 =	vadd.f32 v11, v4;
	v11 =	vld [tilespmem:s1+$0x60];
	v9 =	vimm.f32 $0.0e+00;
	v8 =	vadd.f32 v5, v7  }
0x37: {  	s0 =	simm.s32 $0x0;
	v6 =	vadd.f32 v6, v15;
	v15 =	vld [tilespmem:s1+$0x70];
	s1 =	simm.s32 $0x2180;
	v7 =	vimm.f32 $0.0e+00;
	v5 =	vimm.f32 $0.0e+00  }
.LBB2_3:
0x38: {  	v18 =	vld [tilespmem:s1+$0x0];
	v17 =	vadd.f32 v2, v17;
	v16 =	vadd.f32 v3, v16  }
0x39: {  	v4 =	vadd.f32 v12, v4;
	v9 =	vadd.f32 v13, v9;
	v19 =	vld [tilespmem:s1+$0x10]  }
0x3a: {  	v7 =	vadd.f32 v10, v7;
	v2 =	vld [tilespmem:s1+$0x20];
	v5 =	vadd.f32 v14, v5  }
0x3b: {  	v4 =	vadd.f32 v0, v4;
	v9 =	vadd.f32 v1, v9;
	v3 =	vld [tilespmem:s1+$0x30]  }
0x3c: {  	v7 =	vadd.f32 v11, v7;
	v0 =	vld [tilespmem:s1+$0x40];
	v5 =	vadd.f32 v15, v5  }
0x3d: {  	v1 =	vld [tilespmem:s1+$0x50]  }
0x3e: {  	v11 =	vld [tilespmem:s1+$0xFFFFFF80]  }
0x3f: {  	v14 =	vld [tilespmem:s1+$0xFFFFFF90]  }
0x40: {  	v15 =	vld [tilespmem:s1+$0xFFFFFFA0]  }
0x41: {  	s0 =	sadd.s32 $0x2, s0;
	v20 =	vld [tilespmem:s1+$0xFFFFFFB0]  }
0x42: {  	p0 =	slt.u32 s0, $0xC6;
	v12 =	vld [tilespmem:s1+$0xFFFFFFC0]  }
.Ltmp0:
0x43: {  	v13 =	vld [tilespmem:s1+$0xFFFFFFD0];
	(pc) =	sbr.rel @p0 .LBB2_3-.Ltmp0, $4  }
0x44: {  	v10 =	vld [tilespmem:s1+$0xFFFFFFE0]  }
0x45: {  	v8 =	vadd.f32 v11, v8;
	v6 =	vadd.f32 v14, v6;
	v14 =	vld [tilespmem:s1+$0xFFFFFFF0]  }
0x46: {  	v17 =	vadd.f32 v15, v17;
	v16 =	vadd.f32 v20, v16;
	v11 =	vld [tilespmem:s1+$0x60]  }
0x47: {  	v8 =	vadd.f32 v18, v8;
	v6 =	vadd.f32 v19, v6;
	v15 =	vld [tilespmem:s1+$0x70];
	s1 =	sadd.s32 $0x100, s1  }
0x48: {  	s0 =	sshll.u32 s29, $0x9  }
0x49: {  	s31 =	sand.u32 $0x3FFFFE00, s0  }
0x4a: {  	v2 =	vadd.f32 v2, v17;
	v4 =	vadd.f32 v12, v4;
	[tilespmem:s31+$0x1B000] =	vst v8  }
0x4b: {  	v3 =	vadd.f32 v3, v16;
	v8 =	vadd.f32 v13, v9;
	[tilespmem:s31+$0x1B010] =	vst v6  }
0x4c: {  	v6 =	vadd.f32 v10, v7;
	v0 =	vadd.f32 v0, v4;
	[tilespmem:s31+$0x1B020] =	vst v2  }
0x4d: {  	v2 =	vadd.f32 v14, v5;
	[tilespmem:s31+$0x1B030] =	vst v3;
	v1 =	vadd.f32 v1, v8  }
0x4e: {  	p0 =	seq.s32 s29, $0x7;
	v3 =	vadd.f32 v11, v6;
	[tilespmem:s31+$0x1B040] =	vst v0  }
0x4f: {  	s0 =	sshll.u32 @!p0 s29, $0xA;
	v0 =	vadd.f32 v15, v2;
	[tilespmem:s31+$0x1B050] =	vst v1  }
0x50: {  	s0 =	sand.u32 @!p0 $0x3FFFFC00, s0;
	[tilespmem:s31+$0x1B060] =	vst v3  }
0x51: {  	s9 =	simm.s32 @!p0 $0x64;
	s10 =	simm.s32 @!p0 $0x2000;
	s1 =	sadd.s32 @!p0 $0x400, s0;
	[tilespmem:s31+$0x1B070] =	vst v0  }
0x52: {  	[tilespmem:s10], [sflag:$0x1] =	stream.indirect.gather @!p0 [hbm4b:s2+s9], $0x80, s1, s9, $0xb8;
	[tilespmem:$0x1C000] =	vst v63  }
0x53: {  	s1 =	sadd.s32 @!p0 $0x480, s0;
	s10 =	simm.s32 @!p0 $0x5200  }
0x54: {  	[tilespmem:s10], [sflag:$0x1] =	stream.indirect.gather @!p0 [hbm4b:s2+s9], $0x80, s1, s9, $0xb8;
	[tilespmem:$0x1C000] =	vst v63  }
0x55: {  	_ =	swait.ge [sflag:s23], $0x6400  }
0x56: {  	[sflag:s23] =	ssyncset.done $0x0  }
0x57: {  	s10 =	simm.s32 $0x8400;
	[sflag:s23] =	ssyncadd.s32 $0xFFFF9C00  }
0x58: {  	v5 =	vld [tilespmem:s10+$0x80]  }
0x59: {  	v6 =	vld [tilespmem:s10+$0x90]  }
0x5a: {  	v2 =	vld [tilespmem:s10+$0xA0]  }
0x5b: {  	v3 =	vld [tilespmem:s10+$0xB0]  }
0x5c: {  	v0 =	vld [tilespmem:s10+$0xC0]  }
0x5d: {  	v7 =	vld [tilespmem:s10+$0x0]  }
0x5e: {  	v8 =	vld [tilespmem:s10+$0x10]  }
0x5f: {  	v9 =	vld [tilespmem:s10+$0x20]  }
0x60: {  	v11 =	vld [tilespmem:s10+$0x30]  }
0x61: {  	v1 =	vld [tilespmem:s10+$0xD0]  }
0x62: {  	v12 =	vld [tilespmem:s10+$0x40]  }
0x63: {  	v4 =	vimm.f32 $0.0e+00;
	v13 =	vld [tilespmem:s10+$0x50]  }
0x64: {  	v10 =	vld [tilespmem:s10+$0x60];
	v7 =	vadd.f32 v7, v4  }
0x65: {  	v14 =	vld [tilespmem:s10+$0x70];
	v15 =	vadd.f32 v8, v4;
	v17 =	vadd.f32 v9, v4  }
0x66: {  	v16 =	vadd.f32 v11, v4;
	v11 =	vld [tilespmem:s10+$0xE0];
	v9 =	vimm.f32 $0.0e+00;
	v8 =	vadd.f32 v5, v7  }
0x67: {  	s1 =	simm.s32 $0x0;
	s9 =	simm.s32 $0x8500;
	v6 =	vadd.f32 v6, v15;
	v15 =	vld [tilespmem:s10+$0xF0];
	v7 =	vimm.f32 $0.0e+00;
	v5 =	vimm.f32 $0.0e+00  }
.LBB2_5:
0x68: {  	v18 =	vld [tilespmem:s9+$0x80];
	v17 =	vadd.f32 v2, v17;
	v16 =	vadd.f32 v3, v16  }
0x69: {  	v4 =	vadd.f32 v12, v4;
	v9 =	vadd.f32 v13, v9;
	v19 =	vld [tilespmem:s9+$0x90]  }
0x6a: {  	v7 =	vadd.f32 v10, v7;
	v2 =	vld [tilespmem:s9+$0xA0];
	v5 =	vadd.f32 v14, v5  }
0x6b: {  	v4 =	vadd.f32 v0, v4;
	v9 =	vadd.f32 v1, v9;
	v3 =	vld [tilespmem:s9+$0xB0]  }
0x6c: {  	v7 =	vadd.f32 v11, v7;
	v0 =	vld [tilespmem:s9+$0xC0];
	v5 =	vadd.f32 v15, v5  }
0x6d: {  	v1 =	vld [tilespmem:s9+$0xD0]  }
0x6e: {  	v11 =	vld [tilespmem:s9+$0x0]  }
0x6f: {  	v14 =	vld [tilespmem:s9+$0x10]  }
0x70: {  	v15 =	vld [tilespmem:s9+$0x20]  }
0x71: {  	s1 =	sadd.s32 $0x2, s1;
	v20 =	vld [tilespmem:s9+$0x30]  }
0x72: {  	p1 =	slt.u32 s1, $0xC6;
	v12 =	vld [tilespmem:s9+$0x40]  }
.Ltmp1:
0x73: {  	v13 =	vld [tilespmem:s9+$0x50];
	(pc) =	sbr.rel @p1 .LBB2_5-.Ltmp1, $4  }
0x74: {  	v10 =	vld [tilespmem:s9+$0x60]  }
0x75: {  	v8 =	vadd.f32 v11, v8;
	v6 =	vadd.f32 v14, v6;
	v14 =	vld [tilespmem:s9+$0x70]  }
0x76: {  	v17 =	vadd.f32 v15, v17;
	v16 =	vadd.f32 v20, v16;
	v11 =	vld [tilespmem:s9+$0xE0]  }
0x77: {  	v8 =	vadd.f32 v18, v8;
	v6 =	vadd.f32 v19, v6;
	v15 =	vld [tilespmem:s9+$0xF0];
	s9 =	sadd.s32 $0x100, s9  }
0x78: {  	_ = 	snop  }
0x79: {  	v2 =	vadd.f32 v2, v17;
	v4 =	vadd.f32 v12, v4;
	[tilespmem:s31+$0x1B080] =	vst v8  }
0x7a: {  	v3 =	vadd.f32 v3, v16;
	v8 =	vadd.f32 v13, v9;
	[tilespmem:s31+$0x1B090] =	vst v6  }
0x7b: {  	v6 =	vadd.f32 v10, v7;
	v0 =	vadd.f32 v0, v4;
	[tilespmem:s31+$0x1B0A0] =	vst v2  }
0x7c: {  	v2 =	vadd.f32 v14, v5;
	[tilespmem:s31+$0x1B0B0] =	vst v3;
	v1 =	vadd.f32 v1, v8  }
0x7d: {  	v3 =	vadd.f32 v11, v6;
	[tilespmem:s31+$0x1B0C0] =	vst v0  }
0x7e: {  	v0 =	vadd.f32 v15, v2;
	[tilespmem:s31+$0x1B0D0] =	vst v1  }
0x7f: {  	[tilespmem:s31+$0x1B0E0] =	vst v3  }
0x80: {  	s1 =	sadd.s32 @!p0 $0x500, s0;
	s9 =	simm.s32 @!p0 $0x64;
	s10 =	simm.s32 @!p0 $0x8400;
	[tilespmem:s31+$0x1B0F0] =	vst v0  }
0x81: {  	[tilespmem:s10], [sflag:$0x2] =	stream.indirect.gather @!p0 [hbm4b:s2+s9], $0x80, s1, s9, $0xb8;
	[tilespmem:$0x1C000] =	vst v63  }
0x82: {  	s1 =	sadd.s32 @!p0 $0x580, s0;
	s10 =	simm.s32 @!p0 $0xB600  }
0x83: {  	[tilespmem:s10], [sflag:$0x2] =	stream.indirect.gather @!p0 [hbm4b:s2+s9], $0x80, s1, s9, $0xb8;
	[tilespmem:$0x1C000] =	vst v63  }
0x84: {  	_ =	swait.ge [sflag:s24], $0x6400  }
0x85: {  	[sflag:s24] =	ssyncset.done $0x0  }
0x86: {  	s10 =	simm.s32 $0xE800;
	[sflag:s24] =	ssyncadd.s32 $0xFFFF9C00  }
0x87: {  	v5 =	vld [tilespmem:s10+$0x80]  }
0x88: {  	v6 =	vld [tilespmem:s10+$0x90]  }
0x89: {  	v2 =	vld [tilespmem:s10+$0xA0]  }
0x8a: {  	v3 =	vld [tilespmem:s10+$0xB0]  }
0x8b: {  	v0 =	vld [tilespmem:s10+$0xC0]  }
0x8c: {  	v7 =	vld [tilespmem:s10+$0x0]  }
0x8d: {  	v8 =	vld [tilespmem:s10+$0x10]  }
0x8e: {  	v9 =	vld [tilespmem:s10+$0x20]  }
0x8f: {  	v11 =	vld [tilespmem:s10+$0x30]  }
0x90: {  	v1 =	vld [tilespmem:s10+$0xD0]  }
0x91: {  	v12 =	vld [tilespmem:s10+$0x40]  }
0x92: {  	v4 =	vimm.f32 $0.0e+00;
	v13 =	vld [tilespmem:s10+$0x50]  }
0x93: {  	v10 =	vld [tilespmem:s10+$0x60];
	v7 =	vadd.f32 v7, v4  }
0x94: {  	v14 =	vld [tilespmem:s10+$0x70];
	v15 =	vadd.f32 v8, v4;
	v17 =	vadd.f32 v9, v4  }
0x95: {  	v16 =	vadd.f32 v11, v4;
	v11 =	vld [tilespmem:s10+$0xE0];
	v9 =	vimm.f32 $0.0e+00;
	v8 =	vadd.f32 v5, v7  }
0x96: {  	s1 =	simm.s32 $0x0;
	s9 =	simm.s32 $0xE900;
	v6 =	vadd.f32 v6, v15;
	v15 =	vld [tilespmem:s10+$0xF0];
	v7 =	vimm.f32 $0.0e+00;
	v5 =	vimm.f32 $0.0e+00  }
.LBB2_7:
0x97: {  	v18 =	vld [tilespmem:s9+$0x80];
	v17 =	vadd.f32 v2, v17;
	v16 =	vadd.f32 v3, v16  }
0x98: {  	v4 =	vadd.f32 v12, v4;
	v9 =	vadd.f32 v13, v9;
	v19 =	vld [tilespmem:s9+$0x90]  }
0x99: {  	v7 =	vadd.f32 v10, v7;
	v2 =	vld [tilespmem:s9+$0xA0];
	v5 =	vadd.f32 v14, v5  }
0x9a: {  	v4 =	vadd.f32 v0, v4;
	v9 =	vadd.f32 v1, v9;
	v3 =	vld [tilespmem:s9+$0xB0]  }
0x9b: {  	v7 =	vadd.f32 v11, v7;
	v0 =	vld [tilespmem:s9+$0xC0];
	v5 =	vadd.f32 v15, v5  }
0x9c: {  	v1 =	vld [tilespmem:s9+$0xD0]  }
0x9d: {  	v11 =	vld [tilespmem:s9+$0x0]  }
0x9e: {  	v14 =	vld [tilespmem:s9+$0x10]  }
0x9f: {  	v15 =	vld [tilespmem:s9+$0x20]  }
0xa0: {  	s1 =	sadd.s32 $0x2, s1;
	v20 =	vld [tilespmem:s9+$0x30]  }
0xa1: {  	p1 =	slt.u32 s1, $0xC6;
	v12 =	vld [tilespmem:s9+$0x40]  }
.Ltmp2:
0xa2: {  	v13 =	vld [tilespmem:s9+$0x50];
	(pc) =	sbr.rel @p1 .LBB2_7-.Ltmp2, $4  }
0xa3: {  	v10 =	vld [tilespmem:s9+$0x60]  }
0xa4: {  	v8 =	vadd.f32 v11, v8;
	v6 =	vadd.f32 v14, v6;
	v14 =	vld [tilespmem:s9+$0x70]  }
0xa5: {  	v17 =	vadd.f32 v15, v17;
	v16 =	vadd.f32 v20, v16;
	v11 =	vld [tilespmem:s9+$0xE0]  }
0xa6: {  	v8 =	vadd.f32 v18, v8;
	v6 =	vadd.f32 v19, v6;
	v15 =	vld [tilespmem:s9+$0xF0];
	s9 =	sadd.s32 $0x100, s9  }
0xa7: {  	_ = 	snop  }
0xa8: {  	v2 =	vadd.f32 v2, v17;
	v4 =	vadd.f32 v12, v4;
	[tilespmem:s31+$0x1B100] =	vst v8  }
0xa9: {  	v3 =	vadd.f32 v3, v16;
	v8 =	vadd.f32 v13, v9;
	[tilespmem:s31+$0x1B110] =	vst v6  }
0xaa: {  	v6 =	vadd.f32 v10, v7;
	v0 =	vadd.f32 v0, v4;
	[tilespmem:s31+$0x1B120] =	vst v2  }
0xab: {  	v2 =	vadd.f32 v14, v5;
	[tilespmem:s31+$0x1B130] =	vst v3;
	v1 =	vadd.f32 v1, v8  }
0xac: {  	v3 =	vadd.f32 v11, v6;
	[tilespmem:s31+$0x1B140] =	vst v0  }
0xad: {  	v0 =	vadd.f32 v15, v2;
	[tilespmem:s31+$0x1B150] =	vst v1  }
0xae: {  	[tilespmem:s31+$0x1B160] =	vst v3  }
0xaf: {  	s1 =	sadd.s32 @!p0 $0x600, s0;
	s9 =	simm.s32 @!p0 $0x64;
	s10 =	simm.s32 @!p0 $0xE800;
	[tilespmem:s31+$0x1B170] =	vst v0  }
0xb0: {  	[tilespmem:s10], [sflag:$0x3] =	stream.indirect.gather @!p0 [hbm4b:s2+s9], $0x80, s1, s9, $0xb8;
	[tilespmem:$0x1C000] =	vst v63  }
0xb1: {  	s0 =	sadd.s32 @!p0 $0x680, s0;
	s1 =	simm.s32 @!p0 $0x11A00  }
0xb2: {  	[tilespmem:s1], [sflag:$0x3] =	stream.indirect.gather @!p0 [hbm4b:s2+s9], $0x80, s0, s9, $0xb8;
	[tilespmem:$0x1C000] =	vst v63  }
0xb3: {  	_ =	swait.ge [sflag:s25], $0x6400  }
0xb4: {  	[sflag:s25] =	ssyncset.done $0x0  }
0xb5: {  	s31 =	simm.s32 $0x14C00;
	[sflag:s25] =	ssyncadd.s32 $0xFFFF9C00  }
0xb6: {  	v5 =	vld [tilespmem:s31+$0x80]  }
0xb7: {  	v6 =	vld [tilespmem:s31+$0x90]  }
0xb8: {  	v2 =	vld [tilespmem:s31+$0xA0]  }
0xb9: {  	v3 =	vld [tilespmem:s31+$0xB0]  }
0xba: {  	v0 =	vld [tilespmem:s31+$0xC0]  }
0xbb: {  	v7 =	vld [tilespmem:s31+$0x0]  }
0xbc: {  	v8 =	vld [tilespmem:s31+$0x10]  }
0xbd: {  	v9 =	vld [tilespmem:s31+$0x20]  }
0xbe: {  	v11 =	vld [tilespmem:s31+$0x30]  }
0xbf: {  	v1 =	vld [tilespmem:s31+$0xD0]  }
0xc0: {  	v12 =	vld [tilespmem:s31+$0x40]  }
0xc1: {  	v4 =	vimm.f32 $0.0e+00;
	v13 =	vld [tilespmem:s31+$0x50]  }
0xc2: {  	v10 =	vld [tilespmem:s31+$0x60];
	v7 =	vadd.f32 v7, v4  }
0xc3: {  	v14 =	vld [tilespmem:s31+$0x70];
	v15 =	vadd.f32 v8, v4;
	v17 =	vadd.f32 v9, v4  }
0xc4: {  	v16 =	vadd.f32 v11, v4;
	v11 =	vld [tilespmem:s31+$0xE0];
	v9 =	vimm.f32 $0.0e+00;
	v8 =	vadd.f32 v5, v7  }
0xc5: {  	s0 =	simm.s32 $0x0;
	s1 =	simm.s32 $0x14D00;
	v6 =	vadd.f32 v6, v15;
	v15 =	vld [tilespmem:s31+$0xF0];
	v7 =	vimm.f32 $0.0e+00;
	v5 =	vimm.f32 $0.0e+00  }
.LBB2_9:
0xc6: {  	v18 =	vld [tilespmem:s1+$0x80];
	v17 =	vadd.f32 v2, v17;
	v16 =	vadd.f32 v3, v16  }
0xc7: {  	v4 =	vadd.f32 v12, v4;
	v9 =	vadd.f32 v13, v9;
	v19 =	vld [tilespmem:s1+$0x90]  }
0xc8: {  	v7 =	vadd.f32 v10, v7;
	v2 =	vld [tilespmem:s1+$0xA0];
	v5 =	vadd.f32 v14, v5  }
0xc9: {  	v4 =	vadd.f32 v0, v4;
	v9 =	vadd.f32 v1, v9;
	v3 =	vld [tilespmem:s1+$0xB0]  }
0xca: {  	v7 =	vadd.f32 v11, v7;
	v0 =	vld [tilespmem:s1+$0xC0];
	v5 =	vadd.f32 v15, v5  }
0xcb: {  	v1 =	vld [tilespmem:s1+$0xD0]  }
0xcc: {  	v11 =	vld [tilespmem:s1+$0x0]  }
0xcd: {  	v14 =	vld [tilespmem:s1+$0x10]  }
0xce: {  	v15 =	vld [tilespmem:s1+$0x20]  }
0xcf: {  	s0 =	sadd.s32 $0x2, s0;
	v20 =	vld [tilespmem:s1+$0x30]  }
0xd0: {  	p0 =	slt.u32 s0, $0xC6;
	v12 =	vld [tilespmem:s1+$0x40]  }
.Ltmp3:
0xd1: {  	v13 =	vld [tilespmem:s1+$0x50];
	(pc) =	sbr.rel @p0 .LBB2_9-.Ltmp3, $4  }
0xd2: {  	v10 =	vld [tilespmem:s1+$0x60]  }
0xd3: {  	v8 =	vadd.f32 v11, v8;
	v6 =	vadd.f32 v14, v6;
	v14 =	vld [tilespmem:s1+$0x70]  }
0xd4: {  	v17 =	vadd.f32 v15, v17;
	v16 =	vadd.f32 v20, v16;
	v11 =	vld [tilespmem:s1+$0xE0]  }
0xd5: {  	v8 =	vadd.f32 v18, v8;
	v6 =	vadd.f32 v19, v6;
	v15 =	vld [tilespmem:s1+$0xF0];
	s1 =	sadd.s32 $0x100, s1  }
0xd6: {  	s0 =	sshll.u32 s30, $0x7  }
0xd7: {  	s0 =	sand.u32 $0x3FFFFF80, s0  }
0xd8: {  	v2 =	vadd.f32 v2, v17;
	v4 =	vadd.f32 v12, v4;
	[tilespmem:s0+$0x1B000] =	vst v8  }
0xd9: {  	v3 =	vadd.f32 v3, v16;
	v59 =	vadd.f32 v13, v9;
	s29 =	sadd.s32 $0x1, s29;
	[tilespmem:s0+$0x1B010] =	vst v6  }
0xda: {  	v60 =	vadd.f32 v10, v7;
	p0 =	sne.s32 s29, $0x8;
	v0 =	vadd.f32 v0, v4;
	[tilespmem:s0+$0x1B020] =	vst v2  }
.Ltmp4:
0xdb: {  	v61 =	vadd.f32 v14, v5;
	v1 =	vadd.f32 v1, v59;
	[tilespmem:s0+$0x1B030] =	vst v3;
	(pc) =	sbr.rel @p0 .LBB2_2-.Ltmp4, $4  }
0xdc: {  	v62 =	vadd.f32 v11, v60;
	[tilespmem:s0+$0x1B040] =	vst v0  }
0xdd: {  	v63 =	vadd.f32 v15, v61;
	[tilespmem:s0+$0x1B050] =	vst v1  }
0xde: {  	[tilespmem:s0+$0x1B060] =	vst v62  }
0xdf: {  	[tilespmem:s0+$0x1B070] =	vst v63  }
0xe0: {  	s28 =	sadd.s32 $0x1, s28  }
0xe1: {  	p0 =	sne.s32 s28, s6  }
.Ltmp5:
0xe2: {  	_ = 	snop;
	(pc) =	sbr.rel @p0 .LBB2_1-.Ltmp5, $4  }
0xe3: {  	[hbm4b:s5+s3] =	stream.linear.scatter [tilespmem:s26], [sflag:$0x5], $0x1000, $0x38;
	[tilespmem:$0x1C000] =	vst v63  }
0xe4: {  	_ =	swait.ge [sflag:s7], $0x1000  }
0xe5: {  	[sflag:s7] =	ssyncset.done $0x0  }
0xe6: {  	[sflag:s7] =	ssyncadd.s32 $0xFFFFF000  }
0xe7: {  	_ =	sfence.sel $0x180000  }
0xe8: {  	[bflag:$0x0] =	sbarrier.arrive $0xFFFF  }
0xe9: {  	_ =	strace $0x90000047  }
0xea: {  	s0 =	stileid.u32;
	[bflag:$0x2] =	sbarrier.arrive $0xFFFF  }
0xeb: {  	p0 =	sne.s32 s0, $0x0;
	s0 =	rddreg [dreg:$0x3]  }
0xec: {  	s0 =	sadd.s32 @!p0 $0x100000, s0  }
0xed: {  	[sflag:s0] =	ssyncadd.tile.s32 @!p0 $0x1;
	_ =	shalt  }
.Lfunc_end2:
_tile_overlayer_lowered:
.L_overlay_start_2:
0xee: {  	(tag) =	ssettag $0x2  }
0xef: {  	s0 =	rddreg [dreg:$0x0];
	s2 =	stileid.u32  }
0xf0: {  	s1 =	rddreg [dreg:$0x1];
	p0 =	sne.s32 s2, $0x0  }
0xf1: {  	s3 =	rddreg [dreg:$0x2];
	[bflag:$0x3] =	sbarrier.arrive $0xFFFF;
	s2 =	simm.s32 @!p0 $0x1C05  }
0xf2: {  	[timem:s3], [sflag:s2] =	dma.local @!p0 [hbm:s0], s1  }
0xf3: {  	s0 =	simm.s32 @!p0 $0x5  }
0xf4: {  	_ =	swait.ge @!p0 [sflag:s0], s1  }
0xf5: {  	s1 =	ssub.s32 @!p0 $0x0, s1;
	[sflag:s0] =	ssyncset.done @!p0 $0x0  }
0xf6: {  	[sflag:s0] =	ssyncadd.s32 @!p0 s1  }
0xf7: {  	[bflag:$0x3] =	sbarrier.arrive $0xFFFF  }
0xf8: {  	_ =	shalt  }

</sc_bundles>
